<compile_context>
chip_gen: v7x
topology: tpu7x:2x2x1
jax: 0.10.2.dev20260603
libtpu: 0.0.44.dev20260713+nightly
codegen_flags: <defaults>
</compile_context>

<pallas_src>
import functools
import math

import jax
import jax.numpy as jnp
from jax import lax
from jax.experimental import pallas as pl
from jax.experimental.pallas import tpu as pltpu
from jax.experimental.pallas import tpu_sc as plsc

EMB = 64
SCALE = math.sqrt(EMB)

NC = 2
NS = 16
NW = NC * NS
CH = 128
NBUF = 4
BB = 4096


def _make_sc_gather(n_chunks):
    assert n_chunks % NBUF == 0 and n_chunks >= 2 * NBUF
    n_rings = n_chunks // NBUF
    mesh = plsc.VectorSubcoreMesh(core_axis_name="c", subcore_axis_name="s")

    @functools.partial(
        pl.kernel,
        mesh=mesh,
        out_type=jax.ShapeDtypeStruct((NW * CH, n_chunks * EMB), jnp.float32),
        scratch_types=[
            pltpu.VMEM((n_chunks, CH), jnp.int32),
            pltpu.VMEM((NBUF, CH, 2 * EMB), jnp.float32),
            pltpu.VMEM((2, CH, 2 * EMB), jnp.float32),
        ]
        + [pltpu.SemaphoreType.DMA] * (NBUF + 2),
        compiler_params=pltpu.CompilerParams(use_tc_tiling_on_sc=True),
    )
    def sc_gather(tok_hbm, table_hbm, out_hbm, idx_v, rows_v, pack_v, *sems):
        in_sem = sems[:NBUF]
        out_sem = sems[NBUF:]
        wid = lax.axis_index("s") * NC + lax.axis_index("c")
        pltpu.sync_copy(tok_hbm.at[:, wid, :], idx_v)

        def gather(g, b):
            return pltpu.make_async_copy(
                table_hbm.at[idx_v.at[g]], rows_v.at[b], in_sem[b])

        def scatter(p, pb):
            return pltpu.make_async_copy(
                pack_v.at[pb],
                out_hbm.at[pl.ds(wid * CH, CH), pl.ds(p * 2 * EMB, 2 * EMB)],
                out_sem[pb])

        for g in range(NBUF):
            gather(g, g).start()

        def ring_body(i, carry):
            base = i * NBUF
            for pb in range(2):
                g0 = base + 2 * pb
                b0, b1 = 2 * pb, 2 * pb + 1
                gather(g0, b0).wait()
                gather(g0 + 1, b1).wait()
                @pl.when(i > 0)
                def _():
                    scatter((g0 - NBUF) // 2, pb).wait()

                @plsc.parallel_loop(0, CH, unroll=4)
                def _(r):
                    for c in range(EMB // 16):
                        sl = pl.ds(c * 16, 16)
                        sh = pl.ds(EMB + c * 16, 16)
                        pack_v[pb, r, sl] = rows_v[b0, r, sl]
                        pack_v[pb, r, sh] = rows_v[b1, r, sl]

                scatter(g0 // 2, pb).start()
                @pl.when(i < n_rings - 1)
                def _():
                    gather(g0 + NBUF, b0).start()
                    gather(g0 + NBUF + 1, b1).start()
            return carry

        lax.fori_loop(0, n_rings, ring_body, 0)
        n_pairs = n_chunks // 2
        scatter(n_pairs - 2, 0).wait()
        scatter(n_pairs - 1, 1).wait()

    return sc_gather


def _tc_depad(table_t, vocab):
    CB = 16384
    grid = (vocab + CB - 1) // CB
    ident = jnp.concatenate(
        [jnp.eye(EMB, dtype=jnp.float32)] * 2, axis=1) * SCALE

    def body(x_ref, i_ref, o_ref):
        o_ref[...] = jax.lax.dot_general(
            x_ref[...], i_ref[...], (((0,), (0,)), ((), ())),
            preferred_element_type=jnp.float32)

    return pl.pallas_call(
        body,
        grid=(grid,),
        in_specs=[
            pl.BlockSpec((EMB, CB), lambda c: (0, c)),
            pl.BlockSpec((EMB, 2 * EMB), lambda c: (0, 0)),
        ],
        out_specs=pl.BlockSpec((CB, 2 * EMB), lambda c: (c, 0)),
        out_shape=jax.ShapeDtypeStruct((vocab, 2 * EMB), jnp.float32),
    )(table_t, ident)


def _tc_transpose(x, n_seq, n_tok):
    SP = 8

    def body(x_ref, o_ref):
        xt = jnp.transpose(x_ref[...])
        o_ref[...] = jnp.stack(
            [xt[p * EMB:(p + 1) * EMB, :] for p in range(SP)], axis=0)

    return pl.pallas_call(
        body,
        grid=(n_seq // SP, n_tok // BB),
        in_specs=[pl.BlockSpec((BB, SP * EMB), lambda s, b: (b, s))],
        out_specs=pl.BlockSpec((SP, EMB, BB), lambda s, b: (s, 0, b)),
        out_shape=jax.ShapeDtypeStruct((n_seq, EMB, n_tok), jnp.float32),
    )(x)


def kernel(tokens, table):
    b, s = tokens.shape
    assert b % (NW * CH) == 0 or b == NW * CH
    tok = tokens.T.reshape(s, NW, CH).astype(jnp.int32)
    vocab = table.shape[0]
    dup = _tc_depad(table.T, vocab)
    scratch = _make_sc_gather(s)(tok, dup)
    out = _tc_transpose(scratch, s, b)
    return out.transpose(2, 0, 1)

# --- scband reference (transcript-rebuilt; emitter-appended) ---
"""Pipeline reference for scband-token-embedding-30245159698944 (READ-ONLY COPY).

The authoritative reference and input builder live on the scoring server;
editing this copy changes nothing except your own understanding.
"""

import jax, jax.numpy as jnp
import numpy as np
import math

VOCAB = 1000000
EMB = 64

def setup_inputs(seed: int = 0) -> dict:
    key = jax.random.key(seed)
    k1, k2 = jax.random.split(key)
    tokens = jax.random.randint(k1, (4096, 200), 0, VOCAB, dtype=jnp.int64 if jax.config.read('jax_enable_x64') else jnp.int32)
    table = jax.random.normal(k2, (VOCAB, EMB), dtype=jnp.float32)
    return {"tokens": tokens, "table": table}

def reference(tokens, table):
    # TokenEmbedding.forward: embedding(tokens.long()) * sqrt(emb_size)
    emb = jnp.take(table, tokens, axis=0)
    return emb * math.sqrt(EMB)

if __name__ == "__main__":
    import jax
    _d = setup_inputs()
    print(jax.jit(kernel)(*tuple(_d.values())))

</pallas_src>

<mosaic_0001>
#map = affine_map<(d0, d1) -> (0, 0, 0)>
#map1 = affine_map<(d0, d1) -> (0, 0)>
module attributes {stable_mosaic.version = 14 : i64} {
  func.func @sc_gather(%arg0: i32, %arg1: i32, %arg2: memref<200x32x128xi32, #tpu.memory_space<hbm>>, %arg3: memref<1000000x128xf32, #tpu.memory_space<hbm>>, %arg4: memref<4096x12800xf32, #tpu.memory_space<hbm>>, %arg5: memref<200x128xi32, #tpu.memory_space<vmem>>, %arg6: memref<4x128x128xf32, #tpu.memory_space<vmem>>, %arg7: memref<2x128x128xf32, #tpu.memory_space<vmem>>, %arg8: memref<!tpu.dma_semaphore, #tpu.memory_space<semaphore_mem>>, %arg9: memref<!tpu.dma_semaphore, #tpu.memory_space<semaphore_mem>>, %arg10: memref<!tpu.dma_semaphore, #tpu.memory_space<semaphore_mem>>, %arg11: memref<!tpu.dma_semaphore, #tpu.memory_space<semaphore_mem>>, %arg12: memref<!tpu.dma_semaphore, #tpu.memory_space<semaphore_mem>>, %arg13: memref<!tpu.dma_semaphore, #tpu.memory_space<semaphore_mem>>) attributes {dimension_semantics = [#tpu.dimension_semantics<core_parallel>, #tpu.dimension_semantics<subcore_parallel>], iteration_bounds = array<i64: 2, 16>, scalar_prefetch = 0 : i64, scratch_operands = 9 : i64, tpu.core_type = #tpu.core_type<sc_vector_subcore>, window_params = [{transform_indices = #map}, {transform_indices = #map1}, {transform_indices = #map1}]} {
    %mul3A = arith.constant 2 : i32
    %mul3A_0 = arith.muli %arg1, %mul3A : i32
    %add3A = arith.addi %mul3A_0, %arg0 : i32
    "tpu.region"() ({
      %run_scoped3A = tpu.sem_alloc : memref<!tpu.dma_semaphore, #tpu.memory_space<semaphore_mem>>
      %dma_start3A_82 = arith.constant 0 : i32
      %dma_start3A_83 = arith.constant 0 : i32
      %dma_start3A_84 = tpu.memref_slice %arg2[%dma_start3A_82, %add3A, %dma_start3A_83] : memref<200x32x128xi32, #tpu.memory_space<hbm>> -> memref<200x1x128xi32, #tpu.memory_space<hbm>>
      %dma_start3A_85 = tpu.memref_squeeze %dma_start3A_84 : memref<200x1x128xi32, #tpu.memory_space<hbm>> -> memref<200x128xi32, #tpu.memory_space<hbm>>
      %dma_start3A_86 = arith.constant 0 : i32
      %dma_start3A_87 = arith.constant 0 : i32
      %dma_start3A_88 = tpu.memref_slice %arg2[%dma_start3A_86, %add3A, %dma_start3A_87] : memref<200x32x128xi32, #tpu.memory_space<hbm>> -> memref<200x1x128xi32, #tpu.memory_space<hbm>>
      %dma_start3A_89 = tpu.memref_squeeze %dma_start3A_88 : memref<200x1x128xi32, #tpu.memory_space<hbm>> -> memref<200x128xi32, #tpu.memory_space<hbm>>
      tpu.enqueue_dma source(%dma_start3A_89 : memref<200x128xi32, #tpu.memory_space<hbm>>) target(%arg5 : memref<200x128xi32, #tpu.memory_space<vmem>>) target_semaphore(%run_scoped3A : memref<!tpu.dma_semaphore, #tpu.memory_space<semaphore_mem>>)
      %dma_wait3A_90 = arith.constant 0 : i32
      %dma_wait3A_91 = arith.constant 0 : i32
      %dma_wait3A_92 = tpu.memref_slice %arg2[%dma_wait3A_90, %add3A, %dma_wait3A_91] : memref<200x32x128xi32, #tpu.memory_space<hbm>> -> memref<200x1x128xi32, #tpu.memory_space<hbm>>
      %dma_wait3A_93 = tpu.memref_squeeze %dma_wait3A_92 : memref<200x1x128xi32, #tpu.memory_space<hbm>> -> memref<200x128xi32, #tpu.memory_space<hbm>>
      %dma_wait3A_94 = arith.constant 0 : i32
      %dma_wait3A_95 = arith.constant 0 : i32
      %dma_wait3A_96 = tpu.memref_slice %arg2[%dma_wait3A_94, %add3A, %dma_wait3A_95] : memref<200x32x128xi32, #tpu.memory_space<hbm>> -> memref<200x1x128xi32, #tpu.memory_space<hbm>>
      %dma_wait3A_97 = tpu.memref_squeeze %dma_wait3A_96 : memref<200x1x128xi32, #tpu.memory_space<hbm>> -> memref<200x128xi32, #tpu.memory_space<hbm>>
      tpu.wait_dma2 semaphore(%run_scoped3A : memref<!tpu.dma_semaphore, #tpu.memory_space<semaphore_mem>>) src(%dma_wait3A_97 : memref<200x128xi32, #tpu.memory_space<hbm>>) dst(%arg5 : memref<200x128xi32, #tpu.memory_space<vmem>>)
      tpu.yield
    }) : () -> ()
    %dma_start3A = arith.constant 0 : i32
    %dma_start3A_1 = arith.constant 0 : i32
    %dma_start3A_2 = arith.constant 0 : i32
    %dma_start3A_3 = arith.constant 0 : i32
    %dma_start3A_4 = tpu.memref_slice %arg6[%dma_start3A_1, %dma_start3A_2, %dma_start3A_3] : memref<4x128x128xf32, #tpu.memory_space<vmem>> -> memref<1x128x128xf32, #tpu.memory_space<vmem>>
    %dma_start3A_5 = tpu.memref_squeeze %dma_start3A_4 : memref<1x128x128xf32, #tpu.memory_space<vmem>> -> memref<128x128xf32, #tpu.memory_space<vmem>>
    %dma_start3A_6 = arith.constant 0 : i32
    %dma_start3A_7 = tpu.memref_slice %arg5[%dma_start3A, %dma_start3A_6] : memref<200x128xi32, #tpu.memory_space<vmem>> -> memref<1x128xi32, #tpu.memory_space<vmem>>
    %dma_start3A_8 = tpu.memref_squeeze %dma_start3A_7 : memref<1x128xi32, #tpu.memory_space<vmem>> -> memref<128xi32, #tpu.memory_space<vmem>>
    %dma_start3A_9 = arith.constant 0 : i32
    %dma_start3A_10 = arith.constant 0 : i32
    %dma_start3A_11 = tpu.memref_slice %arg3[%dma_start3A_9, %dma_start3A_10] : memref<1000000x128xf32, #tpu.memory_space<hbm>> -> memref<1000000x128xf32, #tpu.memory_space<hbm>>
    tpu.enqueue_indirect_dma source(%dma_start3A_11 : memref<1000000x128xf32, #tpu.memory_space<hbm>>) target(%dma_start3A_5 : memref<128x128xf32, #tpu.memory_space<vmem>>) offsets(%dma_start3A_8 : memref<128xi32, #tpu.memory_space<vmem>>) semaphore(%arg8 : memref<!tpu.dma_semaphore, #tpu.memory_space<semaphore_mem>>)
    %dma_start3A_12 = arith.constant 1 : i32
    %dma_start3A_13 = arith.constant 1 : i32
    %dma_start3A_14 = arith.constant 0 : i32
    %dma_start3A_15 = arith.constant 0 : i32
    %dma_start3A_16 = tpu.memref_slice %arg6[%dma_start3A_13, %dma_start3A_14, %dma_start3A_15] : memref<4x128x128xf32, #tpu.memory_space<vmem>> -> memref<1x128x128xf32, #tpu.memory_space<vmem>>
    %dma_start3A_17 = tpu.memref_squeeze %dma_start3A_16 : memref<1x128x128xf32, #tpu.memory_space<vmem>> -> memref<128x128xf32, #tpu.memory_space<vmem>>
    %dma_start3A_18 = arith.constant 0 : i32
    %dma_start3A_19 = tpu.memref_slice %arg5[%dma_start3A_12, %dma_start3A_18] : memref<200x128xi32, #tpu.memory_space<vmem>> -> memref<1x128xi32, #tpu.memory_space<vmem>>
    %dma_start3A_20 = tpu.memref_squeeze %dma_start3A_19 : memref<1x128xi32, #tpu.memory_space<vmem>> -> memref<128xi32, #tpu.memory_space<vmem>>
    %dma_start3A_21 = arith.constant 0 : i32
    %dma_start3A_22 = arith.constant 0 : i32
    %dma_start3A_23 = tpu.memref_slice %arg3[%dma_start3A_21, %dma_start3A_22] : memref<1000000x128xf32, #tpu.memory_space<hbm>> -> memref<1000000x128xf32, #tpu.memory_space<hbm>>
    tpu.enqueue_indirect_dma source(%dma_start3A_23 : memref<1000000x128xf32, #tpu.memory_space<hbm>>) target(%dma_start3A_17 : memref<128x128xf32, #tpu.memory_space<vmem>>) offsets(%dma_start3A_20 : memref<128xi32, #tpu.memory_space<vmem>>) semaphore(%arg9 : memref<!tpu.dma_semaphore, #tpu.memory_space<semaphore_mem>>)
    %dma_start3A_24 = arith.constant 2 : i32
    %dma_start3A_25 = arith.constant 2 : i32
    %dma_start3A_26 = arith.constant 0 : i32
    %dma_start3A_27 = arith.constant 0 : i32
    %dma_start3A_28 = tpu.memref_slice %arg6[%dma_start3A_25, %dma_start3A_26, %dma_start3A_27] : memref<4x128x128xf32, #tpu.memory_space<vmem>> -> memref<1x128x128xf32, #tpu.memory_space<vmem>>
    %dma_start3A_29 = tpu.memref_squeeze %dma_start3A_28 : memref<1x128x128xf32, #tpu.memory_space<vmem>> -> memref<128x128xf32, #tpu.memory_space<vmem>>
    %dma_start3A_30 = arith.constant 0 : i32
    %dma_start3A_31 = tpu.memref_slice %arg5[%dma_start3A_24, %dma_start3A_30] : memref<200x128xi32, #tpu.memory_space<vmem>> -> memref<1x128xi32, #tpu.memory_space<vmem>>
    %dma_start3A_32 = tpu.memref_squeeze %dma_start3A_31 : memref<1x128xi32, #tpu.memory_space<vmem>> -> memref<128xi32, #tpu.memory_space<vmem>>
    %dma_start3A_33 = arith.constant 0 : i32
    %dma_start3A_34 = arith.constant 0 : i32
    %dma_start3A_35 = tpu.memref_slice %arg3[%dma_start3A_33, %dma_start3A_34] : memref<1000000x128xf32, #tpu.memory_space<hbm>> -> memref<1000000x128xf32, #tpu.memory_space<hbm>>
    tpu.enqueue_indirect_dma source(%dma_start3A_35 : memref<1000000x128xf32, #tpu.memory_space<hbm>>) target(%dma_start3A_29 : memref<128x128xf32, #tpu.memory_space<vmem>>) offsets(%dma_start3A_32 : memref<128xi32, #tpu.memory_space<vmem>>) semaphore(%arg10 : memref<!tpu.dma_semaphore, #tpu.memory_space<semaphore_mem>>)
    %dma_start3A_36 = arith.constant 3 : i32
    %dma_start3A_37 = arith.constant 3 : i32
    %dma_start3A_38 = arith.constant 0 : i32
    %dma_start3A_39 = arith.constant 0 : i32
    %dma_start3A_40 = tpu.memref_slice %arg6[%dma_start3A_37, %dma_start3A_38, %dma_start3A_39] : memref<4x128x128xf32, #tpu.memory_space<vmem>> -> memref<1x128x128xf32, #tpu.memory_space<vmem>>
    %dma_start3A_41 = tpu.memref_squeeze %dma_start3A_40 : memref<1x128x128xf32, #tpu.memory_space<vmem>> -> memref<128x128xf32, #tpu.memory_space<vmem>>
    %dma_start3A_42 = arith.constant 0 : i32
    %dma_start3A_43 = tpu.memref_slice %arg5[%dma_start3A_36, %dma_start3A_42] : memref<200x128xi32, #tpu.memory_space<vmem>> -> memref<1x128xi32, #tpu.memory_space<vmem>>
    %dma_start3A_44 = tpu.memref_squeeze %dma_start3A_43 : memref<1x128xi32, #tpu.memory_space<vmem>> -> memref<128xi32, #tpu.memory_space<vmem>>
    %dma_start3A_45 = arith.constant 0 : i32
    %dma_start3A_46 = arith.constant 0 : i32
    %dma_start3A_47 = tpu.memref_slice %arg3[%dma_start3A_45, %dma_start3A_46] : memref<1000000x128xf32, #tpu.memory_space<hbm>> -> memref<1000000x128xf32, #tpu.memory_space<hbm>>
    tpu.enqueue_indirect_dma source(%dma_start3A_47 : memref<1000000x128xf32, #tpu.memory_space<hbm>>) target(%dma_start3A_41 : memref<128x128xf32, #tpu.memory_space<vmem>>) offsets(%dma_start3A_44 : memref<128xi32, #tpu.memory_space<vmem>>) semaphore(%arg11 : memref<!tpu.dma_semaphore, #tpu.memory_space<semaphore_mem>>)
    %scan3A = arith.constant 0 : i32
    %scan3A_48 = arith.constant 0 : i32
    %scan3A_49 = arith.constant 50 : i32
    %scan3A_50 = arith.addi %scan3A_48, %scan3A_49 : i32
    %scan3A_51 = arith.constant 1 : i32
    scf.for %scan3A_82 = %scan3A_48 to %scan3A_50 step %scan3A_51  : i32 {
      %mul3A_83 = arith.constant 4 : i32
      %mul3A_84 = arith.muli %scan3A_82, %mul3A_83 : i32
      %add3A_85 = arith.constant 0 : i32
      %add3A_86 = arith.addi %mul3A_84, %add3A_85 : i32
      %dma_wait3A_87 = arith.constant 0 : i32
      %dma_wait3A_88 = arith.constant 0 : i32
      %dma_wait3A_89 = arith.constant 0 : i32
      %dma_wait3A_90 = tpu.memref_slice %arg6[%dma_wait3A_87, %dma_wait3A_88, %dma_wait3A_89] : memref<4x128x128xf32, #tpu.memory_space<vmem>> -> memref<1x128x128xf32, #tpu.memory_space<vmem>>
      %dma_wait3A_91 = tpu.memref_squeeze %dma_wait3A_90 : memref<1x128x128xf32, #tpu.memory_space<vmem>> -> memref<128x128xf32, #tpu.memory_space<vmem>>
      %dma_wait3A_92 = arith.constant 0 : i32
      %dma_wait3A_93 = tpu.memref_slice %arg5[%add3A_86, %dma_wait3A_92] : memref<200x128xi32, #tpu.memory_space<vmem>> -> memref<1x128xi32, #tpu.memory_space<vmem>>
      %dma_wait3A_94 = tpu.memref_squeeze %dma_wait3A_93 : memref<1x128xi32, #tpu.memory_space<vmem>> -> memref<128xi32, #tpu.memory_space<vmem>>
      %dma_wait3A_95 = arith.constant 0 : i32
      %dma_wait3A_96 = arith.constant 0 : i32
      %dma_wait3A_97 = tpu.memref_slice %arg3[%dma_wait3A_95, %dma_wait3A_96] : memref<1000000x128xf32, #tpu.memory_space<hbm>> -> memref<1000000x128xf32, #tpu.memory_space<hbm>>
      tpu.wait_indirect_dma semaphore(%arg8 : memref<!tpu.dma_semaphore, #tpu.memory_space<semaphore_mem>>) src(%dma_wait3A_97 : memref<1000000x128xf32, #tpu.memory_space<hbm>>) dst(%dma_wait3A_91 : memref<128x128xf32, #tpu.memory_space<vmem>>)
      %add3A_98 = arith.constant 1 : i32
      %add3A_99 = arith.addi %add3A_86, %add3A_98 : i32
      %dma_wait3A_100 = arith.constant 1 : i32
      %dma_wait3A_101 = arith.constant 0 : i32
      %dma_wait3A_102 = arith.constant 0 : i32
      %dma_wait3A_103 = tpu.memref_slice %arg6[%dma_wait3A_100, %dma_wait3A_101, %dma_wait3A_102] : memref<4x128x128xf32, #tpu.memory_space<vmem>> -> memref<1x128x128xf32, #tpu.memory_space<vmem>>
      %dma_wait3A_104 = tpu.memref_squeeze %dma_wait3A_103 : memref<1x128x128xf32, #tpu.memory_space<vmem>> -> memref<128x128xf32, #tpu.memory_space<vmem>>
      %dma_wait3A_105 = arith.constant 0 : i32
      %dma_wait3A_106 = tpu.memref_slice %arg5[%add3A_99, %dma_wait3A_105] : memref<200x128xi32, #tpu.memory_space<vmem>> -> memref<1x128xi32, #tpu.memory_space<vmem>>
      %dma_wait3A_107 = tpu.memref_squeeze %dma_wait3A_106 : memref<1x128xi32, #tpu.memory_space<vmem>> -> memref<128xi32, #tpu.memory_space<vmem>>
      %dma_wait3A_108 = arith.constant 0 : i32
      %dma_wait3A_109 = arith.constant 0 : i32
      %dma_wait3A_110 = tpu.memref_slice %arg3[%dma_wait3A_108, %dma_wait3A_109] : memref<1000000x128xf32, #tpu.memory_space<hbm>> -> memref<1000000x128xf32, #tpu.memory_space<hbm>>
      tpu.wait_indirect_dma semaphore(%arg9 : memref<!tpu.dma_semaphore, #tpu.memory_space<semaphore_mem>>) src(%dma_wait3A_110 : memref<1000000x128xf32, #tpu.memory_space<hbm>>) dst(%dma_wait3A_104 : memref<128x128xf32, #tpu.memory_space<vmem>>)
      %gt3A = arith.constant 0 : i32
      %gt3A_111 = arith.cmpi sgt, %scan3A_82, %gt3A : i32
      %convert_element_type3A = arith.extui %gt3A_111 : i1 to i32
      %cond3A = arith.constant 0 : i32
      %cond3A_112 = arith.cmpi ne, %convert_element_type3A, %cond3A : i32
      scf.if %cond3A_112 {
        %sub3A_232 = arith.constant 4 : i32
        %sub3A_233 = arith.subi %add3A_86, %sub3A_232 : i32
        %jit3A_234 = arith.constant 2 : i32
        %div3A_235 = arith.divsi %sub3A_233, %jit3A_234 : i32
        %sign3A_236 = arith.constant 0 : i32
        %sign3A_237 = arith.cmpi sgt, %sub3A_233, %sign3A_236 : i32
        %sign3A_238 = arith.extui %sign3A_237 : i1 to i32
        %sign3A_239 = arith.constant 0 : i32
        %sign3A_240 = arith.cmpi slt, %sub3A_233, %sign3A_239 : i32
        %sign3A_241 = arith.extui %sign3A_240 : i1 to i32
        %sign3A_242 = arith.subi %sign3A_238, %sign3A_241 : i32
        %sign3A_243 = arith.constant 0 : i32
        %sign3A_244 = arith.cmpi sgt, %jit3A_234, %sign3A_243 : i32
        %sign3A_245 = arith.extui %sign3A_244 : i1 to i32
        %sign3A_246 = arith.constant 0 : i32
        %sign3A_247 = arith.cmpi slt, %jit3A_234, %sign3A_246 : i32
        %sign3A_248 = arith.extui %sign3A_247 : i1 to i32
        %sign3A_249 = arith.subi %sign3A_245, %sign3A_248 : i32
        %ne3A_250 = arith.cmpi ne, %sign3A_242, %sign3A_249 : i32
        %rem3A_251 = arith.remsi %sub3A_233, %jit3A_234 : i32
        %ne3A_252 = arith.constant 0 : i32
        %ne3A_253 = arith.cmpi ne, %rem3A_251, %ne3A_252 : i32
        %and3A_254 = arith.andi %ne3A_250, %ne3A_253 : i1
        %sub3A_255 = arith.constant 1 : i32
        %sub3A_256 = arith.subi %div3A_235, %sub3A_255 : i32
        %select_n3A_257 = arith.select %and3A_254, %sub3A_256, %div3A_235 : i32
        %mul3A_258 = arith.constant 128 : i32
        %mul3A_259 = arith.muli %add3A, %mul3A_258 : i32
        %mul3A_260 = arith.constant 2 : i32
        %mul3A_261 = arith.muli %select_n3A_257, %mul3A_260 : i32
        %mul3A_262 = arith.constant 64 : i32
        %mul3A_263 = arith.muli %mul3A_261, %mul3A_262 : i32
        %dma_wait3A_264 = arith.constant 0 : i32
        %dma_wait3A_265 = arith.constant 0 : i32
        %dma_wait3A_266 = arith.constant 0 : i32
        %dma_wait3A_267 = tpu.memref_slice %arg7[%dma_wait3A_264, %dma_wait3A_265, %dma_wait3A_266] : memref<2x128x128xf32, #tpu.memory_space<vmem>> -> memref<1x128x128xf32, #tpu.memory_space<vmem>>
        %dma_wait3A_268 = tpu.memref_squeeze %dma_wait3A_267 : memref<1x128x128xf32, #tpu.memory_space<vmem>> -> memref<128x128xf32, #tpu.memory_space<vmem>>
        %dma_wait3A_269 = tpu.memref_slice %arg4[%mul3A_259, %mul3A_263] : memref<4096x12800xf32, #tpu.memory_space<hbm>> -> memref<128x128xf32, #tpu.memory_space<hbm>>
        %dma_wait3A_270 = tpu.memref_slice %arg4[%mul3A_259, %mul3A_263] : memref<4096x12800xf32, #tpu.memory_space<hbm>> -> memref<128x128xf32, #tpu.memory_space<hbm>>
        %dma_wait3A_271 = arith.constant 0 : i32
        %dma_wait3A_272 = arith.constant 0 : i32
        %dma_wait3A_273 = tpu.memref_slice %arg7[%dma_wait3A_264, %dma_wait3A_271, %dma_wait3A_272] : memref<2x128x128xf32, #tpu.memory_space<vmem>> -> memref<1x128x128xf32, #tpu.memory_space<vmem>>
        %dma_wait3A_274 = tpu.memref_squeeze %dma_wait3A_273 : memref<1x128x128xf32, #tpu.memory_space<vmem>> -> memref<128x128xf32, #tpu.memory_space<vmem>>
        tpu.wait_dma2 semaphore(%arg12 : memref<!tpu.dma_semaphore, #tpu.memory_space<semaphore_mem>>) src(%dma_wait3A_274 : memref<128x128xf32, #tpu.memory_space<vmem>>) dst(%dma_wait3A_270 : memref<128x128xf32, #tpu.memory_space<hbm>>)
      } else {
      }
      %parallel_loop3A = arith.constant 0 : i32
      %parallel_loop3A_113 = arith.constant 128 : i32
      %parallel_loop3A_114 = arith.constant 1 : i32
      scf.for %parallel_loop3A_232 = %parallel_loop3A to %parallel_loop3A_113 step %parallel_loop3A_114  : i32 {
        %parallel_loop3A_233 = arith.constant 0 : i32
        %parallel_loop3A_234 = arith.index_cast %parallel_loop3A_233 : i32 to index
        %parallel_loop3A_235 = arith.index_cast %parallel_loop3A_232 : i32 to index
        %parallel_loop3A_236 = arith.constant 0 : index
        %parallel_loop3A_237 = tpu.vector_load %arg6[%parallel_loop3A_234, %parallel_loop3A_235, %parallel_loop3A_236] {strides = array<i32>} : memref<4x128x128xf32, #tpu.memory_space<vmem>>, vector<1x1x16xf32>,
        %parallel_loop3A_238 = vector.shape_cast %parallel_loop3A_237 : vector<1x1x16xf32> to vector<16xf32>
        %parallel_loop3A_239 = arith.constant 0 : i32
        %parallel_loop3A_240 = arith.index_cast %parallel_loop3A_239 : i32 to index
        %parallel_loop3A_241 = arith.index_cast %parallel_loop3A_232 : i32 to index
        %parallel_loop3A_242 = arith.constant 0 : index
        %parallel_loop3A_243 = tpu.vector_load %arg7[%parallel_loop3A_240, %parallel_loop3A_241, %parallel_loop3A_242] {strides = array<i32>} : memref<2x128x128xf32, #tpu.memory_space<vmem>>, vector<1x1x16xf32>,
        %parallel_loop3A_244 = vector.shape_cast %parallel_loop3A_243 : vector<1x1x16xf32> to vector<16xf32>
        %parallel_loop3A_245 = vector.shape_cast %parallel_loop3A_238 : vector<16xf32> to vector<1x1x16xf32>
        tpu.vector_store %arg7[%parallel_loop3A_240, %parallel_loop3A_241, %parallel_loop3A_242], %parallel_loop3A_245 {strides = array<i32>} : memref<2x128x128xf32, #tpu.memory_space<vmem>>, vector<1x1x16xf32>,
        %parallel_loop3A_246 = arith.constant 1 : i32
        %parallel_loop3A_247 = arith.index_cast %parallel_loop3A_246 : i32 to index
        %parallel_loop3A_248 = arith.index_cast %parallel_loop3A_232 : i32 to index
        %parallel_loop3A_249 = arith.constant 0 : index
        %parallel_loop3A_250 = tpu.vector_load %arg6[%parallel_loop3A_247, %parallel_loop3A_248, %parallel_loop3A_249] {strides = array<i32>} : memref<4x128x128xf32, #tpu.memory_space<vmem>>, vector<1x1x16xf32>,
        %parallel_loop3A_251 = vector.shape_cast %parallel_loop3A_250 : vector<1x1x16xf32> to vector<16xf32>
        %parallel_loop3A_252 = arith.constant 0 : i32
        %parallel_loop3A_253 = arith.index_cast %parallel_loop3A_252 : i32 to index
        %parallel_loop3A_254 = arith.index_cast %parallel_loop3A_232 : i32 to index
        %parallel_loop3A_255 = arith.constant 64 : index
        %parallel_loop3A_256 = tpu.vector_load %arg7[%parallel_loop3A_253, %parallel_loop3A_254, %parallel_loop3A_255] {strides = array<i32>} : memref<2x128x128xf32, #tpu.memory_space<vmem>>, vector<1x1x16xf32>,
        %parallel_loop3A_257 = vector.shape_cast %parallel_loop3A_256 : vector<1x1x16xf32> to vector<16xf32>
        %parallel_loop3A_258 = vector.shape_cast %parallel_loop3A_251 : vector<16xf32> to vector<1x1x16xf32>
        tpu.vector_store %arg7[%parallel_loop3A_253, %parallel_loop3A_254, %parallel_loop3A_255], %parallel_loop3A_258 {strides = array<i32>} : memref<2x128x128xf32, #tpu.memory_space<vmem>>, vector<1x1x16xf32>,
        %parallel_loop3A_259 = arith.constant 0 : i32
        %parallel_loop3A_260 = arith.index_cast %parallel_loop3A_259 : i32 to index
        %parallel_loop3A_261 = arith.index_cast %parallel_loop3A_232 : i32 to index
        %parallel_loop3A_262 = arith.constant 16 : index
        %parallel_loop3A_263 = tpu.vector_load %arg6[%parallel_loop3A_260, %parallel_loop3A_261, %parallel_loop3A_262] {strides = array<i32>} : memref<4x128x128xf32, #tpu.memory_space<vmem>>, vector<1x1x16xf32>,
        %parallel_loop3A_264 = vector.shape_cast %parallel_loop3A_263 : vector<1x1x16xf32> to vector<16xf32>
        %parallel_loop3A_265 = arith.constant 0 : i32
        %parallel_loop3A_266 = arith.index_cast %parallel_loop3A_265 : i32 to index
        %parallel_loop3A_267 = arith.index_cast %parallel_loop3A_232 : i32 to index
        %parallel_loop3A_268 = arith.constant 16 : index
        %parallel_loop3A_269 = tpu.vector_load %arg7[%parallel_loop3A_266, %parallel_loop3A_267, %parallel_loop3A_268] {strides = array<i32>} : memref<2x128x128xf32, #tpu.memory_space<vmem>>, vector<1x1x16xf32>,
        %parallel_loop3A_270 = vector.shape_cast %parallel_loop3A_269 : vector<1x1x16xf32> to vector<16xf32>
        %parallel_loop3A_271 = vector.shape_cast %parallel_loop3A_264 : vector<16xf32> to vector<1x1x16xf32>
        tpu.vector_store %arg7[%parallel_loop3A_266, %parallel_loop3A_267, %parallel_loop3A_268], %parallel_loop3A_271 {strides = array<i32>} : memref<2x128x128xf32, #tpu.memory_space<vmem>>, vector<1x1x16xf32>,
        %parallel_loop3A_272 = arith.constant 1 : i32
        %parallel_loop3A_273 = arith.index_cast %parallel_loop3A_272 : i32 to index
        %parallel_loop3A_274 = arith.index_cast %parallel_loop3A_232 : i32 to index
        %parallel_loop3A_275 = arith.constant 16 : index
        %parallel_loop3A_276 = tpu.vector_load %arg6[%parallel_loop3A_273, %parallel_loop3A_274, %parallel_loop3A_275] {strides = array<i32>} : memref<4x128x128xf32, #tpu.memory_space<vmem>>, vector<1x1x16xf32>,
        %parallel_loop3A_277 = vector.shape_cast %parallel_loop3A_276 : vector<1x1x16xf32> to vector<16xf32>
        %parallel_loop3A_278 = arith.constant 0 : i32
        %parallel_loop3A_279 = arith.index_cast %parallel_loop3A_278 : i32 to index
        %parallel_loop3A_280 = arith.index_cast %parallel_loop3A_232 : i32 to index
        %parallel_loop3A_281 = arith.constant 80 : index
        %parallel_loop3A_282 = tpu.vector_load %arg7[%parallel_loop3A_279, %parallel_loop3A_280, %parallel_loop3A_281] {strides = array<i32>} : memref<2x128x128xf32, #tpu.memory_space<vmem>>, vector<1x1x16xf32>,
        %parallel_loop3A_283 = vector.shape_cast %parallel_loop3A_282 : vector<1x1x16xf32> to vector<16xf32>
        %parallel_loop3A_284 = vector.shape_cast %parallel_loop3A_277 : vector<16xf32> to vector<1x1x16xf32>
        tpu.vector_store %arg7[%parallel_loop3A_279, %parallel_loop3A_280, %parallel_loop3A_281], %parallel_loop3A_284 {strides = array<i32>} : memref<2x128x128xf32, #tpu.memory_space<vmem>>, vector<1x1x16xf32>,
        %parallel_loop3A_285 = arith.constant 0 : i32
        %parallel_loop3A_286 = arith.index_cast %parallel_loop3A_285 : i32 to index
        %parallel_loop3A_287 = arith.index_cast %parallel_loop3A_232 : i32 to index
        %parallel_loop3A_288 = arith.constant 32 : index
        %parallel_loop3A_289 = tpu.vector_load %arg6[%parallel_loop3A_286, %parallel_loop3A_287, %parallel_loop3A_288] {strides = array<i32>} : memref<4x128x128xf32, #tpu.memory_space<vmem>>, vector<1x1x16xf32>,
        %parallel_loop3A_290 = vector.shape_cast %parallel_loop3A_289 : vector<1x1x16xf32> to vector<16xf32>
        %parallel_loop3A_291 = arith.constant 0 : i32
        %parallel_loop3A_292 = arith.index_cast %parallel_loop3A_291 : i32 to index
        %parallel_loop3A_293 = arith.index_cast %parallel_loop3A_232 : i32 to index
        %parallel_loop3A_294 = arith.constant 32 : index
        %parallel_loop3A_295 = tpu.vector_load %arg7[%parallel_loop3A_292, %parallel_loop3A_293, %parallel_loop3A_294] {strides = array<i32>} : memref<2x128x128xf32, #tpu.memory_space<vmem>>, vector<1x1x16xf32>,
        %parallel_loop3A_296 = vector.shape_cast %parallel_loop3A_295 : vector<1x1x16xf32> to vector<16xf32>
        %parallel_loop3A_297 = vector.shape_cast %parallel_loop3A_290 : vector<16xf32> to vector<1x1x16xf32>
        tpu.vector_store %arg7[%parallel_loop3A_292, %parallel_loop3A_293, %parallel_loop3A_294], %parallel_loop3A_297 {strides = array<i32>} : memref<2x128x128xf32, #tpu.memory_space<vmem>>, vector<1x1x16xf32>,
        %parallel_loop3A_298 = arith.constant 1 : i32
        %parallel_loop3A_299 = arith.index_cast %parallel_loop3A_298 : i32 to index
        %parallel_loop3A_300 = arith.index_cast %parallel_loop3A_232 : i32 to index
        %parallel_loop3A_301 = arith.constant 32 : index
        %parallel_loop3A_302 = tpu.vector_load %arg6[%parallel_loop3A_299, %parallel_loop3A_300, %parallel_loop3A_301] {strides = array<i32>} : memref<4x128x128xf32, #tpu.memory_space<vmem>>, vector<1x1x16xf32>,
        %parallel_loop3A_303 = vector.shape_cast %parallel_loop3A_302 : vector<1x1x16xf32> to vector<16xf32>
        %parallel_loop3A_304 = arith.constant 0 : i32
        %parallel_loop3A_305 = arith.index_cast %parallel_loop3A_304 : i32 to index
        %parallel_loop3A_306 = arith.index_cast %parallel_loop3A_232 : i32 to index
        %parallel_loop3A_307 = arith.constant 96 : index
        %parallel_loop3A_308 = tpu.vector_load %arg7[%parallel_loop3A_305, %parallel_loop3A_306, %parallel_loop3A_307] {strides = array<i32>} : memref<2x128x128xf32, #tpu.memory_space<vmem>>, vector<1x1x16xf32>,
        %parallel_loop3A_309 = vector.shape_cast %parallel_loop3A_308 : vector<1x1x16xf32> to vector<16xf32>
        %parallel_loop3A_310 = vector.shape_cast %parallel_loop3A_303 : vector<16xf32> to vector<1x1x16xf32>
        tpu.vector_store %arg7[%parallel_loop3A_305, %parallel_loop3A_306, %parallel_loop3A_307], %parallel_loop3A_310 {strides = array<i32>} : memref<2x128x128xf32, #tpu.memory_space<vmem>>, vector<1x1x16xf32>,
        %parallel_loop3A_311 = arith.constant 0 : i32
        %parallel_loop3A_312 = arith.index_cast %parallel_loop3A_311 : i32 to index
        %parallel_loop3A_313 = arith.index_cast %parallel_loop3A_232 : i32 to index
        %parallel_loop3A_314 = arith.constant 48 : index
        %parallel_loop3A_315 = tpu.vector_load %arg6[%parallel_loop3A_312, %parallel_loop3A_313, %parallel_loop3A_314] {strides = array<i32>} : memref<4x128x128xf32, #tpu.memory_space<vmem>>, vector<1x1x16xf32>,
        %parallel_loop3A_316 = vector.shape_cast %parallel_loop3A_315 : vector<1x1x16xf32> to vector<16xf32>
        %parallel_loop3A_317 = arith.constant 0 : i32
        %parallel_loop3A_318 = arith.index_cast %parallel_loop3A_317 : i32 to index
        %parallel_loop3A_319 = arith.index_cast %parallel_loop3A_232 : i32 to index
        %parallel_loop3A_320 = arith.constant 48 : index
        %parallel_loop3A_321 = tpu.vector_load %arg7[%parallel_loop3A_318, %parallel_loop3A_319, %parallel_loop3A_320] {strides = array<i32>} : memref<2x128x128xf32, #tpu.memory_space<vmem>>, vector<1x1x16xf32>,
        %parallel_loop3A_322 = vector.shape_cast %parallel_loop3A_321 : vector<1x1x16xf32> to vector<16xf32>
        %parallel_loop3A_323 = vector.shape_cast %parallel_loop3A_316 : vector<16xf32> to vector<1x1x16xf32>
        tpu.vector_store %arg7[%parallel_loop3A_318, %parallel_loop3A_319, %parallel_loop3A_320], %parallel_loop3A_323 {strides = array<i32>} : memref<2x128x128xf32, #tpu.memory_space<vmem>>, vector<1x1x16xf32>,
        %parallel_loop3A_324 = arith.constant 1 : i32
        %parallel_loop3A_325 = arith.index_cast %parallel_loop3A_324 : i32 to index
        %parallel_loop3A_326 = arith.index_cast %parallel_loop3A_232 : i32 to index
        %parallel_loop3A_327 = arith.constant 48 : index
        %parallel_loop3A_328 = tpu.vector_load %arg6[%parallel_loop3A_325, %parallel_loop3A_326, %parallel_loop3A_327] {strides = array<i32>} : memref<4x128x128xf32, #tpu.memory_space<vmem>>, vector<1x1x16xf32>,
        %parallel_loop3A_329 = vector.shape_cast %parallel_loop3A_328 : vector<1x1x16xf32> to vector<16xf32>
        %parallel_loop3A_330 = arith.constant 0 : i32
        %parallel_loop3A_331 = arith.index_cast %parallel_loop3A_330 : i32 to index
        %parallel_loop3A_332 = arith.index_cast %parallel_loop3A_232 : i32 to index
        %parallel_loop3A_333 = arith.constant 112 : index
        %parallel_loop3A_334 = tpu.vector_load %arg7[%parallel_loop3A_331, %parallel_loop3A_332, %parallel_loop3A_333] {strides = array<i32>} : memref<2x128x128xf32, #tpu.memory_space<vmem>>, vector<1x1x16xf32>,
        %parallel_loop3A_335 = vector.shape_cast %parallel_loop3A_334 : vector<1x1x16xf32> to vector<16xf32>
        %parallel_loop3A_336 = vector.shape_cast %parallel_loop3A_329 : vector<16xf32> to vector<1x1x16xf32>
        tpu.vector_store %arg7[%parallel_loop3A_331, %parallel_loop3A_332, %parallel_loop3A_333], %parallel_loop3A_336 {strides = array<i32>} : memref<2x128x128xf32, #tpu.memory_space<vmem>>, vector<1x1x16xf32>,
      } {sc.loop_unroll_factor = 4 : i64, sc.parallel_access}
      %jit3A = arith.constant 2 : i32
      %div3A = arith.divsi %add3A_86, %jit3A : i32
      %sign3A = arith.constant 0 : i32
      %sign3A_115 = arith.cmpi sgt, %add3A_86, %sign3A : i32
      %sign3A_116 = arith.extui %sign3A_115 : i1 to i32
      %sign3A_117 = arith.constant 0 : i32
      %sign3A_118 = arith.cmpi slt, %add3A_86, %sign3A_117 : i32
      %sign3A_119 = arith.extui %sign3A_118 : i1 to i32
      %sign3A_120 = arith.subi %sign3A_116, %sign3A_119 : i32
      %sign3A_121 = arith.constant 0 : i32
      %sign3A_122 = arith.cmpi sgt, %jit3A, %sign3A_121 : i32
      %sign3A_123 = arith.extui %sign3A_122 : i1 to i32
      %sign3A_124 = arith.constant 0 : i32
      %sign3A_125 = arith.cmpi slt, %jit3A, %sign3A_124 : i32
      %sign3A_126 = arith.extui %sign3A_125 : i1 to i32
      %sign3A_127 = arith.subi %sign3A_123, %sign3A_126 : i32
      %ne3A = arith.cmpi ne, %sign3A_120, %sign3A_127 : i32
      %rem3A = arith.remsi %add3A_86, %jit3A : i32
      %ne3A_128 = arith.constant 0 : i32
      %ne3A_129 = arith.cmpi ne, %rem3A, %ne3A_128 : i32
      %and3A = arith.andi %ne3A, %ne3A_129 : i1
      %sub3A = arith.constant 1 : i32
      %sub3A_130 = arith.subi %div3A, %sub3A : i32
      %select_n3A = arith.select %and3A, %sub3A_130, %div3A : i32
      %mul3A_131 = arith.constant 128 : i32
      %mul3A_132 = arith.muli %add3A, %mul3A_131 : i32
      %mul3A_133 = arith.constant 2 : i32
      %mul3A_134 = arith.muli %select_n3A, %mul3A_133 : i32
      %mul3A_135 = arith.constant 64 : i32
      %mul3A_136 = arith.muli %mul3A_134, %mul3A_135 : i32
      %dma_start3A_137 = arith.constant 0 : i32
      %dma_start3A_138 = arith.constant 0 : i32
      %dma_start3A_139 = arith.constant 0 : i32
      %dma_start3A_140 = tpu.memref_slice %arg7[%dma_start3A_137, %dma_start3A_138, %dma_start3A_139] : memref<2x128x128xf32, #tpu.memory_space<vmem>> -> memref<1x128x128xf32, #tpu.memory_space<vmem>>
      %dma_start3A_141 = tpu.memref_squeeze %dma_start3A_140 : memref<1x128x128xf32, #tpu.memory_space<vmem>> -> memref<128x128xf32, #tpu.memory_space<vmem>>
      %dma_start3A_142 = tpu.memref_slice %arg4[%mul3A_132, %mul3A_136] : memref<4096x12800xf32, #tpu.memory_space<hbm>> -> memref<128x128xf32, #tpu.memory_space<hbm>>
      %dma_start3A_143 = tpu.memref_slice %arg4[%mul3A_132, %mul3A_136] : memref<4096x12800xf32, #tpu.memory_space<hbm>> -> memref<128x128xf32, #tpu.memory_space<hbm>>
      %dma_start3A_144 = arith.constant 0 : i32
      %dma_start3A_145 = arith.constant 0 : i32
      %dma_start3A_146 = tpu.memref_slice %arg7[%dma_start3A_137, %dma_start3A_144, %dma_start3A_145] : memref<2x128x128xf32, #tpu.memory_space<vmem>> -> memref<1x128x128xf32, #tpu.memory_space<vmem>>
      %dma_start3A_147 = tpu.memref_squeeze %dma_start3A_146 : memref<1x128x128xf32, #tpu.memory_space<vmem>> -> memref<128x128xf32, #tpu.memory_space<vmem>>
      tpu.enqueue_dma source(%dma_start3A_147 : memref<128x128xf32, #tpu.memory_space<vmem>>) target(%dma_start3A_143 : memref<128x128xf32, #tpu.memory_space<hbm>>) target_semaphore(%arg12 : memref<!tpu.dma_semaphore, #tpu.memory_space<semaphore_mem>>)
      %lt3A = arith.constant 49 : i32
      %lt3A_148 = arith.cmpi slt, %scan3A_82, %lt3A : i32
      %convert_element_type3A_149 = arith.extui %lt3A_148 : i1 to i32
      %cond3A_150 = arith.constant 0 : i32
      %cond3A_151 = arith.cmpi ne, %convert_element_type3A_149, %cond3A_150 : i32
      scf.if %cond3A_151 {
        %add3A_232 = arith.constant 4 : i32
        %add3A_233 = arith.addi %add3A_86, %add3A_232 : i32
        %dma_start3A_234 = arith.constant 0 : i32
        %dma_start3A_235 = arith.constant 0 : i32
        %dma_start3A_236 = arith.constant 0 : i32
        %dma_start3A_237 = tpu.memref_slice %arg6[%dma_start3A_234, %dma_start3A_235, %dma_start3A_236] : memref<4x128x128xf32, #tpu.memory_space<vmem>> -> memref<1x128x128xf32, #tpu.memory_space<vmem>>
        %dma_start3A_238 = tpu.memref_squeeze %dma_start3A_237 : memref<1x128x128xf32, #tpu.memory_space<vmem>> -> memref<128x128xf32, #tpu.memory_space<vmem>>
        %dma_start3A_239 = arith.constant 0 : i32
        %dma_start3A_240 = tpu.memref_slice %arg5[%add3A_233, %dma_start3A_239] : memref<200x128xi32, #tpu.memory_space<vmem>> -> memref<1x128xi32, #tpu.memory_space<vmem>>
        %dma_start3A_241 = tpu.memref_squeeze %dma_start3A_240 : memref<1x128xi32, #tpu.memory_space<vmem>> -> memref<128xi32, #tpu.memory_space<vmem>>
        %dma_start3A_242 = arith.constant 0 : i32
        %dma_start3A_243 = arith.constant 0 : i32
        %dma_start3A_244 = tpu.memref_slice %arg3[%dma_start3A_242, %dma_start3A_243] : memref<1000000x128xf32, #tpu.memory_space<hbm>> -> memref<1000000x128xf32, #tpu.memory_space<hbm>>
        tpu.enqueue_indirect_dma source(%dma_start3A_244 : memref<1000000x128xf32, #tpu.memory_space<hbm>>) target(%dma_start3A_238 : memref<128x128xf32, #tpu.memory_space<vmem>>) offsets(%dma_start3A_241 : memref<128xi32, #tpu.memory_space<vmem>>) semaphore(%arg8 : memref<!tpu.dma_semaphore, #tpu.memory_space<semaphore_mem>>)
        %add3A_245 = arith.constant 4 : i32
        %add3A_246 = arith.addi %add3A_86, %add3A_245 : i32
        %add3A_247 = arith.constant 1 : i32
        %add3A_248 = arith.addi %add3A_246, %add3A_247 : i32
        %dma_start3A_249 = arith.constant 1 : i32
        %dma_start3A_250 = arith.constant 0 : i32
        %dma_start3A_251 = arith.constant 0 : i32
        %dma_start3A_252 = tpu.memref_slice %arg6[%dma_start3A_249, %dma_start3A_250, %dma_start3A_251] : memref<4x128x128xf32, #tpu.memory_space<vmem>> -> memref<1x128x128xf32, #tpu.memory_space<vmem>>
        %dma_start3A_253 = tpu.memref_squeeze %dma_start3A_252 : memref<1x128x128xf32, #tpu.memory_space<vmem>> -> memref<128x128xf32, #tpu.memory_space<vmem>>
        %dma_start3A_254 = arith.constant 0 : i32
        %dma_start3A_255 = tpu.memref_slice %arg5[%add3A_248, %dma_start3A_254] : memref<200x128xi32, #tpu.memory_space<vmem>> -> memref<1x128xi32, #tpu.memory_space<vmem>>
        %dma_start3A_256 = tpu.memref_squeeze %dma_start3A_255 : memref<1x128xi32, #tpu.memory_space<vmem>> -> memref<128xi32, #tpu.memory_space<vmem>>
        %dma_start3A_257 = arith.constant 0 : i32
        %dma_start3A_258 = arith.constant 0 : i32
        %dma_start3A_259 = tpu.memref_slice %arg3[%dma_start3A_257, %dma_start3A_258] : memref<1000000x128xf32, #tpu.memory_space<hbm>> -> memref<1000000x128xf32, #tpu.memory_space<hbm>>
        tpu.enqueue_indirect_dma source(%dma_start3A_259 : memref<1000000x128xf32, #tpu.memory_space<hbm>>) target(%dma_start3A_253 : memref<128x128xf32, #tpu.memory_space<vmem>>) offsets(%dma_start3A_256 : memref<128xi32, #tpu.memory_space<vmem>>) semaphore(%arg9 : memref<!tpu.dma_semaphore, #tpu.memory_space<semaphore_mem>>)
      } else {
      }
      %add3A_152 = arith.constant 2 : i32
      %add3A_153 = arith.addi %mul3A_84, %add3A_152 : i32
      %dma_wait3A_154 = arith.constant 2 : i32
      %dma_wait3A_155 = arith.constant 0 : i32
      %dma_wait3A_156 = arith.constant 0 : i32
      %dma_wait3A_157 = tpu.memref_slice %arg6[%dma_wait3A_154, %dma_wait3A_155, %dma_wait3A_156] : memref<4x128x128xf32, #tpu.memory_space<vmem>> -> memref<1x128x128xf32, #tpu.memory_space<vmem>>
      %dma_wait3A_158 = tpu.memref_squeeze %dma_wait3A_157 : memref<1x128x128xf32, #tpu.memory_space<vmem>> -> memref<128x128xf32, #tpu.memory_space<vmem>>
      %dma_wait3A_159 = arith.constant 0 : i32
      %dma_wait3A_160 = tpu.memref_slice %arg5[%add3A_153, %dma_wait3A_159] : memref<200x128xi32, #tpu.memory_space<vmem>> -> memref<1x128xi32, #tpu.memory_space<vmem>>
      %dma_wait3A_161 = tpu.memref_squeeze %dma_wait3A_160 : memref<1x128xi32, #tpu.memory_space<vmem>> -> memref<128xi32, #tpu.memory_space<vmem>>
      %dma_wait3A_162 = arith.constant 0 : i32
      %dma_wait3A_163 = arith.constant 0 : i32
      %dma_wait3A_164 = tpu.memref_slice %arg3[%dma_wait3A_162, %dma_wait3A_163] : memref<1000000x128xf32, #tpu.memory_space<hbm>> -> memref<1000000x128xf32, #tpu.memory_space<hbm>>
      tpu.wait_indirect_dma semaphore(%arg10 : memref<!tpu.dma_semaphore, #tpu.memory_space<semaphore_mem>>) src(%dma_wait3A_164 : memref<1000000x128xf32, #tpu.memory_space<hbm>>) dst(%dma_wait3A_158 : memref<128x128xf32, #tpu.memory_space<vmem>>)
      %add3A_165 = arith.constant 1 : i32
      %add3A_166 = arith.addi %add3A_153, %add3A_165 : i32
      %dma_wait3A_167 = arith.constant 3 : i32
      %dma_wait3A_168 = arith.constant 0 : i32
      %dma_wait3A_169 = arith.constant 0 : i32
      %dma_wait3A_170 = tpu.memref_slice %arg6[%dma_wait3A_167, %dma_wait3A_168, %dma_wait3A_169] : memref<4x128x128xf32, #tpu.memory_space<vmem>> -> memref<1x128x128xf32, #tpu.memory_space<vmem>>
      %dma_wait3A_171 = tpu.memref_squeeze %dma_wait3A_170 : memref<1x128x128xf32, #tpu.memory_space<vmem>> -> memref<128x128xf32, #tpu.memory_space<vmem>>
      %dma_wait3A_172 = arith.constant 0 : i32
      %dma_wait3A_173 = tpu.memref_slice %arg5[%add3A_166, %dma_wait3A_172] : memref<200x128xi32, #tpu.memory_space<vmem>> -> memref<1x128xi32, #tpu.memory_space<vmem>>
      %dma_wait3A_174 = tpu.memref_squeeze %dma_wait3A_173 : memref<1x128xi32, #tpu.memory_space<vmem>> -> memref<128xi32, #tpu.memory_space<vmem>>
      %dma_wait3A_175 = arith.constant 0 : i32
      %dma_wait3A_176 = arith.constant 0 : i32
      %dma_wait3A_177 = tpu.memref_slice %arg3[%dma_wait3A_175, %dma_wait3A_176] : memref<1000000x128xf32, #tpu.memory_space<hbm>> -> memref<1000000x128xf32, #tpu.memory_space<hbm>>
      tpu.wait_indirect_dma semaphore(%arg11 : memref<!tpu.dma_semaphore, #tpu.memory_space<semaphore_mem>>) src(%dma_wait3A_177 : memref<1000000x128xf32, #tpu.memory_space<hbm>>) dst(%dma_wait3A_171 : memref<128x128xf32, #tpu.memory_space<vmem>>)
      %gt3A_178 = arith.constant 0 : i32
      %gt3A_179 = arith.cmpi sgt, %scan3A_82, %gt3A_178 : i32
      %convert_element_type3A_180 = arith.extui %gt3A_179 : i1 to i32
      %cond3A_181 = arith.constant 0 : i32
      %cond3A_182 = arith.cmpi ne, %convert_element_type3A_180, %cond3A_181 : i32
      scf.if %cond3A_182 {
        %sub3A_232 = arith.constant 4 : i32
        %sub3A_233 = arith.subi %add3A_153, %sub3A_232 : i32
        %jit3A_234 = arith.constant 2 : i32
        %div3A_235 = arith.divsi %sub3A_233, %jit3A_234 : i32
        %sign3A_236 = arith.constant 0 : i32
        %sign3A_237 = arith.cmpi sgt, %sub3A_233, %sign3A_236 : i32
        %sign3A_238 = arith.extui %sign3A_237 : i1 to i32
        %sign3A_239 = arith.constant 0 : i32
        %sign3A_240 = arith.cmpi slt, %sub3A_233, %sign3A_239 : i32
        %sign3A_241 = arith.extui %sign3A_240 : i1 to i32
        %sign3A_242 = arith.subi %sign3A_238, %sign3A_241 : i32
        %sign3A_243 = arith.constant 0 : i32
        %sign3A_244 = arith.cmpi sgt, %jit3A_234, %sign3A_243 : i32
        %sign3A_245 = arith.extui %sign3A_244 : i1 to i32
        %sign3A_246 = arith.constant 0 : i32
        %sign3A_247 = arith.cmpi slt, %jit3A_234, %sign3A_246 : i32
        %sign3A_248 = arith.extui %sign3A_247 : i1 to i32
        %sign3A_249 = arith.subi %sign3A_245, %sign3A_248 : i32
        %ne3A_250 = arith.cmpi ne, %sign3A_242, %sign3A_249 : i32
        %rem3A_251 = arith.remsi %sub3A_233, %jit3A_234 : i32
        %ne3A_252 = arith.constant 0 : i32
        %ne3A_253 = arith.cmpi ne, %rem3A_251, %ne3A_252 : i32
        %and3A_254 = arith.andi %ne3A_250, %ne3A_253 : i1
        %sub3A_255 = arith.constant 1 : i32
        %sub3A_256 = arith.subi %div3A_235, %sub3A_255 : i32
        %select_n3A_257 = arith.select %and3A_254, %sub3A_256, %div3A_235 : i32
        %mul3A_258 = arith.constant 128 : i32
        %mul3A_259 = arith.muli %add3A, %mul3A_258 : i32
        %mul3A_260 = arith.constant 2 : i32
        %mul3A_261 = arith.muli %select_n3A_257, %mul3A_260 : i32
        %mul3A_262 = arith.constant 64 : i32
        %mul3A_263 = arith.muli %mul3A_261, %mul3A_262 : i32
        %dma_wait3A_264 = arith.constant 1 : i32
        %dma_wait3A_265 = arith.constant 0 : i32
        %dma_wait3A_266 = arith.constant 0 : i32
        %dma_wait3A_267 = tpu.memref_slice %arg7[%dma_wait3A_264, %dma_wait3A_265, %dma_wait3A_266] : memref<2x128x128xf32, #tpu.memory_space<vmem>> -> memref<1x128x128xf32, #tpu.memory_space<vmem>>
        %dma_wait3A_268 = tpu.memref_squeeze %dma_wait3A_267 : memref<1x128x128xf32, #tpu.memory_space<vmem>> -> memref<128x128xf32, #tpu.memory_space<vmem>>
        %dma_wait3A_269 = tpu.memref_slice %arg4[%mul3A_259, %mul3A_263] : memref<4096x12800xf32, #tpu.memory_space<hbm>> -> memref<128x128xf32, #tpu.memory_space<hbm>>
        %dma_wait3A_270 = tpu.memref_slice %arg4[%mul3A_259, %mul3A_263] : memref<4096x12800xf32, #tpu.memory_space<hbm>> -> memref<128x128xf32, #tpu.memory_space<hbm>>
        %dma_wait3A_271 = arith.constant 0 : i32
        %dma_wait3A_272 = arith.constant 0 : i32
        %dma_wait3A_273 = tpu.memref_slice %arg7[%dma_wait3A_264, %dma_wait3A_271, %dma_wait3A_272] : memref<2x128x128xf32, #tpu.memory_space<vmem>> -> memref<1x128x128xf32, #tpu.memory_space<vmem>>
        %dma_wait3A_274 = tpu.memref_squeeze %dma_wait3A_273 : memref<1x128x128xf32, #tpu.memory_space<vmem>> -> memref<128x128xf32, #tpu.memory_space<vmem>>
        tpu.wait_dma2 semaphore(%arg13 : memref<!tpu.dma_semaphore, #tpu.memory_space<semaphore_mem>>) src(%dma_wait3A_274 : memref<128x128xf32, #tpu.memory_space<vmem>>) dst(%dma_wait3A_270 : memref<128x128xf32, #tpu.memory_space<hbm>>)
      } else {
      }
      %parallel_loop3A_183 = arith.constant 0 : i32
      %parallel_loop3A_184 = arith.constant 128 : i32
      %parallel_loop3A_185 = arith.constant 1 : i32
      scf.for %parallel_loop3A_232 = %parallel_loop3A_183 to %parallel_loop3A_184 step %parallel_loop3A_185  : i32 {
        %parallel_loop3A_233 = arith.constant 2 : i32
        %parallel_loop3A_234 = arith.index_cast %parallel_loop3A_233 : i32 to index
        %parallel_loop3A_235 = arith.index_cast %parallel_loop3A_232 : i32 to index
        %parallel_loop3A_236 = arith.constant 0 : index
        %parallel_loop3A_237 = tpu.vector_load %arg6[%parallel_loop3A_234, %parallel_loop3A_235, %parallel_loop3A_236] {strides = array<i32>} : memref<4x128x128xf32, #tpu.memory_space<vmem>>, vector<1x1x16xf32>,
        %parallel_loop3A_238 = vector.shape_cast %parallel_loop3A_237 : vector<1x1x16xf32> to vector<16xf32>
        %parallel_loop3A_239 = arith.constant 1 : i32
        %parallel_loop3A_240 = arith.index_cast %parallel_loop3A_239 : i32 to index
        %parallel_loop3A_241 = arith.index_cast %parallel_loop3A_232 : i32 to index
        %parallel_loop3A_242 = arith.constant 0 : index
        %parallel_loop3A_243 = tpu.vector_load %arg7[%parallel_loop3A_240, %parallel_loop3A_241, %parallel_loop3A_242] {strides = array<i32>} : memref<2x128x128xf32, #tpu.memory_space<vmem>>, vector<1x1x16xf32>,
        %parallel_loop3A_244 = vector.shape_cast %parallel_loop3A_243 : vector<1x1x16xf32> to vector<16xf32>
        %parallel_loop3A_245 = vector.shape_cast %parallel_loop3A_238 : vector<16xf32> to vector<1x1x16xf32>
        tpu.vector_store %arg7[%parallel_loop3A_240, %parallel_loop3A_241, %parallel_loop3A_242], %parallel_loop3A_245 {strides = array<i32>} : memref<2x128x128xf32, #tpu.memory_space<vmem>>, vector<1x1x16xf32>,
        %parallel_loop3A_246 = arith.constant 3 : i32
        %parallel_loop3A_247 = arith.index_cast %parallel_loop3A_246 : i32 to index
        %parallel_loop3A_248 = arith.index_cast %parallel_loop3A_232 : i32 to index
        %parallel_loop3A_249 = arith.constant 0 : index
        %parallel_loop3A_250 = tpu.vector_load %arg6[%parallel_loop3A_247, %parallel_loop3A_248, %parallel_loop3A_249] {strides = array<i32>} : memref<4x128x128xf32, #tpu.memory_space<vmem>>, vector<1x1x16xf32>,
        %parallel_loop3A_251 = vector.shape_cast %parallel_loop3A_250 : vector<1x1x16xf32> to vector<16xf32>
        %parallel_loop3A_252 = arith.constant 1 : i32
        %parallel_loop3A_253 = arith.index_cast %parallel_loop3A_252 : i32 to index
        %parallel_loop3A_254 = arith.index_cast %parallel_loop3A_232 : i32 to index
        %parallel_loop3A_255 = arith.constant 64 : index
        %parallel_loop3A_256 = tpu.vector_load %arg7[%parallel_loop3A_253, %parallel_loop3A_254, %parallel_loop3A_255] {strides = array<i32>} : memref<2x128x128xf32, #tpu.memory_space<vmem>>, vector<1x1x16xf32>,
        %parallel_loop3A_257 = vector.shape_cast %parallel_loop3A_256 : vector<1x1x16xf32> to vector<16xf32>
        %parallel_loop3A_258 = vector.shape_cast %parallel_loop3A_251 : vector<16xf32> to vector<1x1x16xf32>
        tpu.vector_store %arg7[%parallel_loop3A_253, %parallel_loop3A_254, %parallel_loop3A_255], %parallel_loop3A_258 {strides = array<i32>} : memref<2x128x128xf32, #tpu.memory_space<vmem>>, vector<1x1x16xf32>,
        %parallel_loop3A_259 = arith.constant 2 : i32
        %parallel_loop3A_260 = arith.index_cast %parallel_loop3A_259 : i32 to index
        %parallel_loop3A_261 = arith.index_cast %parallel_loop3A_232 : i32 to index
        %parallel_loop3A_262 = arith.constant 16 : index
        %parallel_loop3A_263 = tpu.vector_load %arg6[%parallel_loop3A_260, %parallel_loop3A_261, %parallel_loop3A_262] {strides = array<i32>} : memref<4x128x128xf32, #tpu.memory_space<vmem>>, vector<1x1x16xf32>,
        %parallel_loop3A_264 = vector.shape_cast %parallel_loop3A_263 : vector<1x1x16xf32> to vector<16xf32>
        %parallel_loop3A_265 = arith.constant 1 : i32
        %parallel_loop3A_266 = arith.index_cast %parallel_loop3A_265 : i32 to index
        %parallel_loop3A_267 = arith.index_cast %parallel_loop3A_232 : i32 to index
        %parallel_loop3A_268 = arith.constant 16 : index
        %parallel_loop3A_269 = tpu.vector_load %arg7[%parallel_loop3A_266, %parallel_loop3A_267, %parallel_loop3A_268] {strides = array<i32>} : memref<2x128x128xf32, #tpu.memory_space<vmem>>, vector<1x1x16xf32>,
        %parallel_loop3A_270 = vector.shape_cast %parallel_loop3A_269 : vector<1x1x16xf32> to vector<16xf32>
        %parallel_loop3A_271 = vector.shape_cast %parallel_loop3A_264 : vector<16xf32> to vector<1x1x16xf32>
        tpu.vector_store %arg7[%parallel_loop3A_266, %parallel_loop3A_267, %parallel_loop3A_268], %parallel_loop3A_271 {strides = array<i32>} : memref<2x128x128xf32, #tpu.memory_space<vmem>>, vector<1x1x16xf32>,
        %parallel_loop3A_272 = arith.constant 3 : i32
        %parallel_loop3A_273 = arith.index_cast %parallel_loop3A_272 : i32 to index
        %parallel_loop3A_274 = arith.index_cast %parallel_loop3A_232 : i32 to index
        %parallel_loop3A_275 = arith.constant 16 : index
        %parallel_loop3A_276 = tpu.vector_load %arg6[%parallel_loop3A_273, %parallel_loop3A_274, %parallel_loop3A_275] {strides = array<i32>} : memref<4x128x128xf32, #tpu.memory_space<vmem>>, vector<1x1x16xf32>,
        %parallel_loop3A_277 = vector.shape_cast %parallel_loop3A_276 : vector<1x1x16xf32> to vector<16xf32>
        %parallel_loop3A_278 = arith.constant 1 : i32
        %parallel_loop3A_279 = arith.index_cast %parallel_loop3A_278 : i32 to index
        %parallel_loop3A_280 = arith.index_cast %parallel_loop3A_232 : i32 to index
        %parallel_loop3A_281 = arith.constant 80 : index
        %parallel_loop3A_282 = tpu.vector_load %arg7[%parallel_loop3A_279, %parallel_loop3A_280, %parallel_loop3A_281] {strides = array<i32>} : memref<2x128x128xf32, #tpu.memory_space<vmem>>, vector<1x1x16xf32>,
        %parallel_loop3A_283 = vector.shape_cast %parallel_loop3A_282 : vector<1x1x16xf32> to vector<16xf32>
        %parallel_loop3A_284 = vector.shape_cast %parallel_loop3A_277 : vector<16xf32> to vector<1x1x16xf32>
        tpu.vector_store %arg7[%parallel_loop3A_279, %parallel_loop3A_280, %parallel_loop3A_281], %parallel_loop3A_284 {strides = array<i32>} : memref<2x128x128xf32, #tpu.memory_space<vmem>>, vector<1x1x16xf32>,
        %parallel_loop3A_285 = arith.constant 2 : i32
        %parallel_loop3A_286 = arith.index_cast %parallel_loop3A_285 : i32 to index
        %parallel_loop3A_287 = arith.index_cast %parallel_loop3A_232 : i32 to index
        %parallel_loop3A_288 = arith.constant 32 : index
        %parallel_loop3A_289 = tpu.vector_load %arg6[%parallel_loop3A_286, %parallel_loop3A_287, %parallel_loop3A_288] {strides = array<i32>} : memref<4x128x128xf32, #tpu.memory_space<vmem>>, vector<1x1x16xf32>,
        %parallel_loop3A_290 = vector.shape_cast %parallel_loop3A_289 : vector<1x1x16xf32> to vector<16xf32>
        %parallel_loop3A_291 = arith.constant 1 : i32
        %parallel_loop3A_292 = arith.index_cast %parallel_loop3A_291 : i32 to index
        %parallel_loop3A_293 = arith.index_cast %parallel_loop3A_232 : i32 to index
        %parallel_loop3A_294 = arith.constant 32 : index
        %parallel_loop3A_295 = tpu.vector_load %arg7[%parallel_loop3A_292, %parallel_loop3A_293, %parallel_loop3A_294] {strides = array<i32>} : memref<2x128x128xf32, #tpu.memory_space<vmem>>, vector<1x1x16xf32>,
        %parallel_loop3A_296 = vector.shape_cast %parallel_loop3A_295 : vector<1x1x16xf32> to vector<16xf32>
        %parallel_loop3A_297 = vector.shape_cast %parallel_loop3A_290 : vector<16xf32> to vector<1x1x16xf32>
        tpu.vector_store %arg7[%parallel_loop3A_292, %parallel_loop3A_293, %parallel_loop3A_294], %parallel_loop3A_297 {strides = array<i32>} : memref<2x128x128xf32, #tpu.memory_space<vmem>>, vector<1x1x16xf32>,
        %parallel_loop3A_298 = arith.constant 3 : i32
        %parallel_loop3A_299 = arith.index_cast %parallel_loop3A_298 : i32 to index
        %parallel_loop3A_300 = arith.index_cast %parallel_loop3A_232 : i32 to index
        %parallel_loop3A_301 = arith.constant 32 : index
        %parallel_loop3A_302 = tpu.vector_load %arg6[%parallel_loop3A_299, %parallel_loop3A_300, %parallel_loop3A_301] {strides = array<i32>} : memref<4x128x128xf32, #tpu.memory_space<vmem>>, vector<1x1x16xf32>,
        %parallel_loop3A_303 = vector.shape_cast %parallel_loop3A_302 : vector<1x1x16xf32> to vector<16xf32>
        %parallel_loop3A_304 = arith.constant 1 : i32
        %parallel_loop3A_305 = arith.index_cast %parallel_loop3A_304 : i32 to index
        %parallel_loop3A_306 = arith.index_cast %parallel_loop3A_232 : i32 to index
        %parallel_loop3A_307 = arith.constant 96 : index
        %parallel_loop3A_308 = tpu.vector_load %arg7[%parallel_loop3A_305, %parallel_loop3A_306, %parallel_loop3A_307] {strides = array<i32>} : memref<2x128x128xf32, #tpu.memory_space<vmem>>, vector<1x1x16xf32>,
        %parallel_loop3A_309 = vector.shape_cast %parallel_loop3A_308 : vector<1x1x16xf32> to vector<16xf32>
        %parallel_loop3A_310 = vector.shape_cast %parallel_loop3A_303 : vector<16xf32> to vector<1x1x16xf32>
        tpu.vector_store %arg7[%parallel_loop3A_305, %parallel_loop3A_306, %parallel_loop3A_307], %parallel_loop3A_310 {strides = array<i32>} : memref<2x128x128xf32, #tpu.memory_space<vmem>>, vector<1x1x16xf32>,
        %parallel_loop3A_311 = arith.constant 2 : i32
        %parallel_loop3A_312 = arith.index_cast %parallel_loop3A_311 : i32 to index
        %parallel_loop3A_313 = arith.index_cast %parallel_loop3A_232 : i32 to index
        %parallel_loop3A_314 = arith.constant 48 : index
        %parallel_loop3A_315 = tpu.vector_load %arg6[%parallel_loop3A_312, %parallel_loop3A_313, %parallel_loop3A_314] {strides = array<i32>} : memref<4x128x128xf32, #tpu.memory_space<vmem>>, vector<1x1x16xf32>,
        %parallel_loop3A_316 = vector.shape_cast %parallel_loop3A_315 : vector<1x1x16xf32> to vector<16xf32>
        %parallel_loop3A_317 = arith.constant 1 : i32
        %parallel_loop3A_318 = arith.index_cast %parallel_loop3A_317 : i32 to index
        %parallel_loop3A_319 = arith.index_cast %parallel_loop3A_232 : i32 to index
        %parallel_loop3A_320 = arith.constant 48 : index
        %parallel_loop3A_321 = tpu.vector_load %arg7[%parallel_loop3A_318, %parallel_loop3A_319, %parallel_loop3A_320] {strides = array<i32>} : memref<2x128x128xf32, #tpu.memory_space<vmem>>, vector<1x1x16xf32>,
        %parallel_loop3A_322 = vector.shape_cast %parallel_loop3A_321 : vector<1x1x16xf32> to vector<16xf32>
        %parallel_loop3A_323 = vector.shape_cast %parallel_loop3A_316 : vector<16xf32> to vector<1x1x16xf32>
        tpu.vector_store %arg7[%parallel_loop3A_318, %parallel_loop3A_319, %parallel_loop3A_320], %parallel_loop3A_323 {strides = array<i32>} : memref<2x128x128xf32, #tpu.memory_space<vmem>>, vector<1x1x16xf32>,
        %parallel_loop3A_324 = arith.constant 3 : i32
        %parallel_loop3A_325 = arith.index_cast %parallel_loop3A_324 : i32 to index
        %parallel_loop3A_326 = arith.index_cast %parallel_loop3A_232 : i32 to index
        %parallel_loop3A_327 = arith.constant 48 : index
        %parallel_loop3A_328 = tpu.vector_load %arg6[%parallel_loop3A_325, %parallel_loop3A_326, %parallel_loop3A_327] {strides = array<i32>} : memref<4x128x128xf32, #tpu.memory_space<vmem>>, vector<1x1x16xf32>,
        %parallel_loop3A_329 = vector.shape_cast %parallel_loop3A_328 : vector<1x1x16xf32> to vector<16xf32>
        %parallel_loop3A_330 = arith.constant 1 : i32
        %parallel_loop3A_331 = arith.index_cast %parallel_loop3A_330 : i32 to index
        %parallel_loop3A_332 = arith.index_cast %parallel_loop3A_232 : i32 to index
        %parallel_loop3A_333 = arith.constant 112 : index
        %parallel_loop3A_334 = tpu.vector_load %arg7[%parallel_loop3A_331, %parallel_loop3A_332, %parallel_loop3A_333] {strides = array<i32>} : memref<2x128x128xf32, #tpu.memory_space<vmem>>, vector<1x1x16xf32>,
        %parallel_loop3A_335 = vector.shape_cast %parallel_loop3A_334 : vector<1x1x16xf32> to vector<16xf32>
        %parallel_loop3A_336 = vector.shape_cast %parallel_loop3A_329 : vector<16xf32> to vector<1x1x16xf32>
        tpu.vector_store %arg7[%parallel_loop3A_331, %parallel_loop3A_332, %parallel_loop3A_333], %parallel_loop3A_336 {strides = array<i32>} : memref<2x128x128xf32, #tpu.memory_space<vmem>>, vector<1x1x16xf32>,
      } {sc.loop_unroll_factor = 4 : i64, sc.parallel_access}
      %jit3A_186 = arith.constant 2 : i32
      %div3A_187 = arith.divsi %add3A_153, %jit3A_186 : i32
      %sign3A_188 = arith.constant 0 : i32
      %sign3A_189 = arith.cmpi sgt, %add3A_153, %sign3A_188 : i32
      %sign3A_190 = arith.extui %sign3A_189 : i1 to i32
      %sign3A_191 = arith.constant 0 : i32
      %sign3A_192 = arith.cmpi slt, %add3A_153, %sign3A_191 : i32
      %sign3A_193 = arith.extui %sign3A_192 : i1 to i32
      %sign3A_194 = arith.subi %sign3A_190, %sign3A_193 : i32
      %sign3A_195 = arith.constant 0 : i32
      %sign3A_196 = arith.cmpi sgt, %jit3A_186, %sign3A_195 : i32
      %sign3A_197 = arith.extui %sign3A_196 : i1 to i32
      %sign3A_198 = arith.constant 0 : i32
      %sign3A_199 = arith.cmpi slt, %jit3A_186, %sign3A_198 : i32
      %sign3A_200 = arith.extui %sign3A_199 : i1 to i32
      %sign3A_201 = arith.subi %sign3A_197, %sign3A_200 : i32
      %ne3A_202 = arith.cmpi ne, %sign3A_194, %sign3A_201 : i32
      %rem3A_203 = arith.remsi %add3A_153, %jit3A_186 : i32
      %ne3A_204 = arith.constant 0 : i32
      %ne3A_205 = arith.cmpi ne, %rem3A_203, %ne3A_204 : i32
      %and3A_206 = arith.andi %ne3A_202, %ne3A_205 : i1
      %sub3A_207 = arith.constant 1 : i32
      %sub3A_208 = arith.subi %div3A_187, %sub3A_207 : i32
      %select_n3A_209 = arith.select %and3A_206, %sub3A_208, %div3A_187 : i32
      %mul3A_210 = arith.constant 128 : i32
      %mul3A_211 = arith.muli %add3A, %mul3A_210 : i32
      %mul3A_212 = arith.constant 2 : i32
      %mul3A_213 = arith.muli %select_n3A_209, %mul3A_212 : i32
      %mul3A_214 = arith.constant 64 : i32
      %mul3A_215 = arith.muli %mul3A_213, %mul3A_214 : i32
      %dma_start3A_216 = arith.constant 1 : i32
      %dma_start3A_217 = arith.constant 0 : i32
      %dma_start3A_218 = arith.constant 0 : i32
      %dma_start3A_219 = tpu.memref_slice %arg7[%dma_start3A_216, %dma_start3A_217, %dma_start3A_218] : memref<2x128x128xf32, #tpu.memory_space<vmem>> -> memref<1x128x128xf32, #tpu.memory_space<vmem>>
      %dma_start3A_220 = tpu.memref_squeeze %dma_start3A_219 : memref<1x128x128xf32, #tpu.memory_space<vmem>> -> memref<128x128xf32, #tpu.memory_space<vmem>>
      %dma_start3A_221 = tpu.memref_slice %arg4[%mul3A_211, %mul3A_215] : memref<4096x12800xf32, #tpu.memory_space<hbm>> -> memref<128x128xf32, #tpu.memory_space<hbm>>
      %dma_start3A_222 = tpu.memref_slice %arg4[%mul3A_211, %mul3A_215] : memref<4096x12800xf32, #tpu.memory_space<hbm>> -> memref<128x128xf32, #tpu.memory_space<hbm>>
      %dma_start3A_223 = arith.constant 0 : i32
      %dma_start3A_224 = arith.constant 0 : i32
      %dma_start3A_225 = tpu.memref_slice %arg7[%dma_start3A_216, %dma_start3A_223, %dma_start3A_224] : memref<2x128x128xf32, #tpu.memory_space<vmem>> -> memref<1x128x128xf32, #tpu.memory_space<vmem>>
      %dma_start3A_226 = tpu.memref_squeeze %dma_start3A_225 : memref<1x128x128xf32, #tpu.memory_space<vmem>> -> memref<128x128xf32, #tpu.memory_space<vmem>>
      tpu.enqueue_dma source(%dma_start3A_226 : memref<128x128xf32, #tpu.memory_space<vmem>>) target(%dma_start3A_222 : memref<128x128xf32, #tpu.memory_space<hbm>>) target_semaphore(%arg13 : memref<!tpu.dma_semaphore, #tpu.memory_space<semaphore_mem>>)
      %lt3A_227 = arith.constant 49 : i32
      %lt3A_228 = arith.cmpi slt, %scan3A_82, %lt3A_227 : i32
      %convert_element_type3A_229 = arith.extui %lt3A_228 : i1 to i32
      %cond3A_230 = arith.constant 0 : i32
      %cond3A_231 = arith.cmpi ne, %convert_element_type3A_229, %cond3A_230 : i32
      scf.if %cond3A_231 {
        %add3A_232 = arith.constant 4 : i32
        %add3A_233 = arith.addi %add3A_153, %add3A_232 : i32
        %dma_start3A_234 = arith.constant 2 : i32
        %dma_start3A_235 = arith.constant 0 : i32
        %dma_start3A_236 = arith.constant 0 : i32
        %dma_start3A_237 = tpu.memref_slice %arg6[%dma_start3A_234, %dma_start3A_235, %dma_start3A_236] : memref<4x128x128xf32, #tpu.memory_space<vmem>> -> memref<1x128x128xf32, #tpu.memory_space<vmem>>
        %dma_start3A_238 = tpu.memref_squeeze %dma_start3A_237 : memref<1x128x128xf32, #tpu.memory_space<vmem>> -> memref<128x128xf32, #tpu.memory_space<vmem>>
        %dma_start3A_239 = arith.constant 0 : i32
        %dma_start3A_240 = tpu.memref_slice %arg5[%add3A_233, %dma_start3A_239] : memref<200x128xi32, #tpu.memory_space<vmem>> -> memref<1x128xi32, #tpu.memory_space<vmem>>
        %dma_start3A_241 = tpu.memref_squeeze %dma_start3A_240 : memref<1x128xi32, #tpu.memory_space<vmem>> -> memref<128xi32, #tpu.memory_space<vmem>>
        %dma_start3A_242 = arith.constant 0 : i32
        %dma_start3A_243 = arith.constant 0 : i32
        %dma_start3A_244 = tpu.memref_slice %arg3[%dma_start3A_242, %dma_start3A_243] : memref<1000000x128xf32, #tpu.memory_space<hbm>> -> memref<1000000x128xf32, #tpu.memory_space<hbm>>
        tpu.enqueue_indirect_dma source(%dma_start3A_244 : memref<1000000x128xf32, #tpu.memory_space<hbm>>) target(%dma_start3A_238 : memref<128x128xf32, #tpu.memory_space<vmem>>) offsets(%dma_start3A_241 : memref<128xi32, #tpu.memory_space<vmem>>) semaphore(%arg10 : memref<!tpu.dma_semaphore, #tpu.memory_space<semaphore_mem>>)
        %add3A_245 = arith.constant 4 : i32
        %add3A_246 = arith.addi %add3A_153, %add3A_245 : i32
        %add3A_247 = arith.constant 1 : i32
        %add3A_248 = arith.addi %add3A_246, %add3A_247 : i32
        %dma_start3A_249 = arith.constant 3 : i32
        %dma_start3A_250 = arith.constant 0 : i32
        %dma_start3A_251 = arith.constant 0 : i32
        %dma_start3A_252 = tpu.memref_slice %arg6[%dma_start3A_249, %dma_start3A_250, %dma_start3A_251] : memref<4x128x128xf32, #tpu.memory_space<vmem>> -> memref<1x128x128xf32, #tpu.memory_space<vmem>>
        %dma_start3A_253 = tpu.memref_squeeze %dma_start3A_252 : memref<1x128x128xf32, #tpu.memory_space<vmem>> -> memref<128x128xf32, #tpu.memory_space<vmem>>
        %dma_start3A_254 = arith.constant 0 : i32
        %dma_start3A_255 = tpu.memref_slice %arg5[%add3A_248, %dma_start3A_254] : memref<200x128xi32, #tpu.memory_space<vmem>> -> memref<1x128xi32, #tpu.memory_space<vmem>>
        %dma_start3A_256 = tpu.memref_squeeze %dma_start3A_255 : memref<1x128xi32, #tpu.memory_space<vmem>> -> memref<128xi32, #tpu.memory_space<vmem>>
        %dma_start3A_257 = arith.constant 0 : i32
        %dma_start3A_258 = arith.constant 0 : i32
        %dma_start3A_259 = tpu.memref_slice %arg3[%dma_start3A_257, %dma_start3A_258] : memref<1000000x128xf32, #tpu.memory_space<hbm>> -> memref<1000000x128xf32, #tpu.memory_space<hbm>>
        tpu.enqueue_indirect_dma source(%dma_start3A_259 : memref<1000000x128xf32, #tpu.memory_space<hbm>>) target(%dma_start3A_253 : memref<128x128xf32, #tpu.memory_space<vmem>>) offsets(%dma_start3A_256 : memref<128xi32, #tpu.memory_space<vmem>>) semaphore(%arg11 : memref<!tpu.dma_semaphore, #tpu.memory_space<semaphore_mem>>)
      } else {
      }
    }
    %scan3A_52 = arith.constant 50 : i32
    %mul3A_53 = arith.constant 128 : i32
    %mul3A_54 = arith.muli %add3A, %mul3A_53 : i32
    %dma_wait3A = arith.constant 0 : i32
    %dma_wait3A_55 = arith.constant 0 : i32
    %dma_wait3A_56 = arith.constant 0 : i32
    %dma_wait3A_57 = tpu.memref_slice %arg7[%dma_wait3A, %dma_wait3A_55, %dma_wait3A_56] : memref<2x128x128xf32, #tpu.memory_space<vmem>> -> memref<1x128x128xf32, #tpu.memory_space<vmem>>
    %dma_wait3A_58 = tpu.memref_squeeze %dma_wait3A_57 : memref<1x128x128xf32, #tpu.memory_space<vmem>> -> memref<128x128xf32, #tpu.memory_space<vmem>>
    %dma_wait3A_59 = arith.constant 12544 : i32
    %dma_wait3A_60 = tpu.memref_slice %arg4[%mul3A_54, %dma_wait3A_59] : memref<4096x12800xf32, #tpu.memory_space<hbm>> -> memref<128x128xf32, #tpu.memory_space<hbm>>
    %dma_wait3A_61 = arith.constant 12544 : i32
    %dma_wait3A_62 = tpu.memref_slice %arg4[%mul3A_54, %dma_wait3A_61] : memref<4096x12800xf32, #tpu.memory_space<hbm>> -> memref<128x128xf32, #tpu.memory_space<hbm>>
    %dma_wait3A_63 = arith.constant 0 : i32
    %dma_wait3A_64 = arith.constant 0 : i32
    %dma_wait3A_65 = tpu.memref_slice %arg7[%dma_wait3A, %dma_wait3A_63, %dma_wait3A_64] : memref<2x128x128xf32, #tpu.memory_space<vmem>> -> memref<1x128x128xf32, #tpu.memory_space<vmem>>
    %dma_wait3A_66 = tpu.memref_squeeze %dma_wait3A_65 : memref<1x128x128xf32, #tpu.memory_space<vmem>> -> memref<128x128xf32, #tpu.memory_space<vmem>>
    tpu.wait_dma2 semaphore(%arg12 : memref<!tpu.dma_semaphore, #tpu.memory_space<semaphore_mem>>) src(%dma_wait3A_66 : memref<128x128xf32, #tpu.memory_space<vmem>>) dst(%dma_wait3A_62 : memref<128x128xf32, #tpu.memory_space<hbm>>)
    %mul3A_67 = arith.constant 128 : i32
    %mul3A_68 = arith.muli %add3A, %mul3A_67 : i32
    %dma_wait3A_69 = arith.constant 1 : i32
    %dma_wait3A_70 = arith.constant 0 : i32
    %dma_wait3A_71 = arith.constant 0 : i32
    %dma_wait3A_72 = tpu.memref_slice %arg7[%dma_wait3A_69, %dma_wait3A_70, %dma_wait3A_71] : memref<2x128x128xf32, #tpu.memory_space<vmem>> -> memref<1x128x128xf32, #tpu.memory_space<vmem>>
    %dma_wait3A_73 = tpu.memref_squeeze %dma_wait3A_72 : memref<1x128x128xf32, #tpu.memory_space<vmem>> -> memref<128x128xf32, #tpu.memory_space<vmem>>
    %dma_wait3A_74 = arith.constant 12672 : i32
    %dma_wait3A_75 = tpu.memref_slice %arg4[%mul3A_68, %dma_wait3A_74] : memref<4096x12800xf32, #tpu.memory_space<hbm>> -> memref<128x128xf32, #tpu.memory_space<hbm>>
    %dma_wait3A_76 = arith.constant 12672 : i32
    %dma_wait3A_77 = tpu.memref_slice %arg4[%mul3A_68, %dma_wait3A_76] : memref<4096x12800xf32, #tpu.memory_space<hbm>> -> memref<128x128xf32, #tpu.memory_space<hbm>>
    %dma_wait3A_78 = arith.constant 0 : i32
    %dma_wait3A_79 = arith.constant 0 : i32
    %dma_wait3A_80 = tpu.memref_slice %arg7[%dma_wait3A_69, %dma_wait3A_78, %dma_wait3A_79] : memref<2x128x128xf32, #tpu.memory_space<vmem>> -> memref<1x128x128xf32, #tpu.memory_space<vmem>>
    %dma_wait3A_81 = tpu.memref_squeeze %dma_wait3A_80 : memref<1x128x128xf32, #tpu.memory_space<vmem>> -> memref<128x128xf32, #tpu.memory_space<vmem>>
    tpu.wait_dma2 semaphore(%arg13 : memref<!tpu.dma_semaphore, #tpu.memory_space<semaphore_mem>>) src(%dma_wait3A_81 : memref<128x128xf32, #tpu.memory_space<vmem>>) dst(%dma_wait3A_77 : memref<128x128xf32, #tpu.memory_space<hbm>>)
    return
  }
}

module attributes {stable_mosaic.version = 14 : i64} {
  func.func @body(%arg0: i32, %arg1: memref<64x16384xf32, #tpu.memory_space<vmem>>, %arg2: memref<64x128xf32, #tpu.memory_space<vmem>>, %arg3: memref<16384x128xf32, #tpu.memory_space<vmem>>) attributes {dimension_semantics = [#tpu.dimension_semantics<arbitrary>], iteration_bounds = array<i64: 62>, scalar_prefetch = 0 : i64, scratch_operands = 0 : i64, tpu.core_type = #tpu.core_type<tc>, window_params = [{transform_indices = @transform_0, window_bounds = array<i64: 64, 16384>}, {pipeline_mode = #tpu.pipeline_mode<synchronous>, transform_indices = @transform_1, window_bounds = array<i64: 64, 128>}, {transform_indices = @transform_2, window_bounds = array<i64: 16384, 128>}]} {
    %get3A = arith.constant 0 : index
    %get3A_0 = arith.constant 0 : index
    %get3A_1 = vector.load %arg1[%get3A, %get3A_0] : memref<64x16384xf32, #tpu.memory_space<vmem>>, vector<64x16384xf32>
    %get3A_2 = arith.constant 0 : index
    %get3A_3 = arith.constant 0 : index
    %get3A_4 = vector.load %arg2[%get3A_2, %get3A_3] : memref<64x128xf32, #tpu.memory_space<vmem>>, vector<64x128xf32>
    %dot_general3A = arith.constant dense<0.000000e+00> : vector<16384x128xf32>
    %dot_general3A_5 = tpu.matmul %get3A_1, %get3A_4, %dot_general3A {dimension_numbers = #tpu.dot_dimension_numbers<[0], [0], [1], [1], [0, 1, 1, 1], [], []>, transpose_lhs_hint = false} : vector<64x16384xf32>, vector<64x128xf32>, vector<16384x128xf32> -> vector<16384x128xf32>
    %swap3A = arith.constant 0 : index
    %swap3A_6 = arith.constant 0 : index
    %swap3A_7 = vector.load %arg3[%swap3A, %swap3A_6] : memref<16384x128xf32, #tpu.memory_space<vmem>>, vector<16384x128xf32>
    tpu.vector_store %arg3[%swap3A, %swap3A_6], %dot_general3A_5 {strides = array<i32>} : memref<16384x128xf32, #tpu.memory_space<vmem>>, vector<16384x128xf32>,
    return
  }
  func.func @transform_0(%arg0: i32) -> (i32, i32) {
    %c0_i32 = arith.constant 0 : i32
    %c0_i32_0 = arith.constant 0 : i32
    return %c0_i32, %arg0 : i32, i32
  }
  func.func @transform_1(%arg0: i32) -> (i32, i32) {
    %c0_i32 = arith.constant 0 : i32
    %c0_i32_0 = arith.constant 0 : i32
    %c0_i32_1 = arith.constant 0 : i32
    return %c0_i32, %c0_i32_0 : i32, i32
  }
  func.func @transform_2(%arg0: i32) -> (i32, i32) {
    %c0_i32 = arith.constant 0 : i32
    %c0_i32_0 = arith.constant 0 : i32
    return %arg0, %c0_i32 : i32, i32
  }
}

module attributes {stable_mosaic.version = 14 : i64} {
  func.func @body(%arg0: i32, %arg1: i32, %arg2: memref<4096x512xf32, #tpu.memory_space<vmem>>, %arg3: memref<8x64x4096xf32, #tpu.memory_space<vmem>>) attributes {dimension_semantics = [#tpu.dimension_semantics<arbitrary>, #tpu.dimension_semantics<arbitrary>], iteration_bounds = array<i64: 25, 1>, scalar_prefetch = 0 : i64, scratch_operands = 0 : i64, tpu.core_type = #tpu.core_type<tc>, window_params = [{transform_indices = @transform_0, window_bounds = array<i64: 4096, 512>}, {transform_indices = @transform_1, window_bounds = array<i64: 8, 64, 4096>}]} {
    %get3A = arith.constant 0 : index
    %get3A_0 = arith.constant 0 : index
    %get3A_1 = vector.load %arg2[%get3A, %get3A_0] : memref<4096x512xf32, #tpu.memory_space<vmem>>, vector<4096x512xf32>
    %transpose3A = tpu.transpose %get3A_1, [1, 0] : vector<4096x512xf32> -> vector<512x4096xf32>
    %slice3A = vector.extract_strided_slice %transpose3A {offsets = [0, 0], sizes = [64, 4096], strides = [1, 1]} : vector<512x4096xf32> to vector<64x4096xf32>
    %slice3A_2 = vector.extract_strided_slice %transpose3A {offsets = [64, 0], sizes = [64, 4096], strides = [1, 1]} : vector<512x4096xf32> to vector<64x4096xf32>
    %slice3A_3 = vector.extract_strided_slice %transpose3A {offsets = [128, 0], sizes = [64, 4096], strides = [1, 1]} : vector<512x4096xf32> to vector<64x4096xf32>
    %slice3A_4 = vector.extract_strided_slice %transpose3A {offsets = [192, 0], sizes = [64, 4096], strides = [1, 1]} : vector<512x4096xf32> to vector<64x4096xf32>
    %slice3A_5 = vector.extract_strided_slice %transpose3A {offsets = [256, 0], sizes = [64, 4096], strides = [1, 1]} : vector<512x4096xf32> to vector<64x4096xf32>
    %slice3A_6 = vector.extract_strided_slice %transpose3A {offsets = [320, 0], sizes = [64, 4096], strides = [1, 1]} : vector<512x4096xf32> to vector<64x4096xf32>
    %slice3A_7 = vector.extract_strided_slice %transpose3A {offsets = [384, 0], sizes = [64, 4096], strides = [1, 1]} : vector<512x4096xf32> to vector<64x4096xf32>
    %slice3A_8 = vector.extract_strided_slice %transpose3A {offsets = [448, 0], sizes = [64, 4096], strides = [1, 1]} : vector<512x4096xf32> to vector<64x4096xf32>
    %stack3A = vector.shape_cast %slice3A : vector<64x4096xf32> to vector<1x64x4096xf32>
    %stack3A_9 = vector.shape_cast %slice3A_2 : vector<64x4096xf32> to vector<1x64x4096xf32>
    %stack3A_10 = vector.shape_cast %slice3A_3 : vector<64x4096xf32> to vector<1x64x4096xf32>
    %stack3A_11 = vector.shape_cast %slice3A_4 : vector<64x4096xf32> to vector<1x64x4096xf32>
    %stack3A_12 = vector.shape_cast %slice3A_5 : vector<64x4096xf32> to vector<1x64x4096xf32>
    %stack3A_13 = vector.shape_cast %slice3A_6 : vector<64x4096xf32> to vector<1x64x4096xf32>
    %stack3A_14 = vector.shape_cast %slice3A_7 : vector<64x4096xf32> to vector<1x64x4096xf32>
    %stack3A_15 = vector.shape_cast %slice3A_8 : vector<64x4096xf32> to vector<1x64x4096xf32>
    %stack3A_16 = tpu.concatenate %stack3A, %stack3A_9, %stack3A_10, %stack3A_11, %stack3A_12, %stack3A_13, %stack3A_14, %stack3A_15 in 0 : vector<1x64x4096xf32>, vector<1x64x4096xf32>, vector<1x64x4096xf32>, vector<1x64x4096xf32>, vector<1x64x4096xf32>, vector<1x64x4096xf32>, vector<1x64x4096xf32>, vector<1x64x4096xf32> -> vector<8x64x4096xf32>
    %swap3A = arith.constant 0 : index
    %swap3A_17 = arith.constant 0 : index
    %swap3A_18 = arith.constant 0 : index
    %swap3A_19 = vector.load %arg3[%swap3A, %swap3A_17, %swap3A_18] : memref<8x64x4096xf32, #tpu.memory_space<vmem>>, vector<8x64x4096xf32>
    tpu.vector_store %arg3[%swap3A, %swap3A_17, %swap3A_18], %stack3A_16 {strides = array<i32>} : memref<8x64x4096xf32, #tpu.memory_space<vmem>>, vector<8x64x4096xf32>,
    return
  }
  func.func @transform_0(%arg0: i32, %arg1: i32) -> (i32, i32) {
    %c0_i32 = arith.constant 0 : i32
    return %arg1, %arg0 : i32, i32
  }
  func.func @transform_1(%arg0: i32, %arg1: i32) -> (i32, i32, i32) {
    %c0_i32 = arith.constant 0 : i32
    %c0_i32_0 = arith.constant 0 : i32
    return %arg0, %c0_i32, %arg1 : i32, i32, i32
  }
}

</mosaic_0001>

<sc_bundles>
// kernel: kernel.5.cloned.1.call-start
scs
__scs_entry_jumppad:
0x0: {  	(pc) =	sbr.rel $0x88, $3  }
0x1: {  	(tag) =	ssettag $0x0;
	lr =	simm.s32 $0x1  }
0x2: {  	[smem:$0x3F9F] =	sst lr;
	_ =	strace $0xD0000000  }
0x3: {  	_ = 	snop  }
0x4: {  	_ = 	snop  }
0x5: {  	_ = 	snop  }
0x6: {  	_ = 	snop  }
0x7: {  	_ = 	snop  }
__scs_overlays_trampoline_lowered:
0x8: {  	[smem:$0x3FAE] =	sst s0  }
0x9: {  	[smem:$0x3FAF] =	sst s1  }
0xa: {  	[smem:$0x3FB0] =	sst s2  }
0xb: {  	[smem:$0x3FB1] =	sst s3  }
0xc: {  	[smem:$0x3FB2] =	sst s4  }
0xd: {  	[smem:$0x3FB3] =	sst s5  }
0xe: {  	[smem:$0x3FB4] =	sst s6  }
0xf: {  	[smem:$0x3FB5] =	sst s7  }
0x10: {  	[smem:$0x3FB6] =	sst s8  }
0x11: {  	[smem:$0x3FB7] =	sst s9;
	s0 =	simm.s32 @!p0 $0x0  }
0x12: {  	s1 =	sld [smem:$0x3F9D];
	s0 =	simm.s32 @p0 $0x1  }
0x13: {  	[smem:$0x3FB8] =	sst s0;
	s0 =	simm.s32 @!p1 $0x0  }
0x14: {  	s2 =	sld [smem:$0x3F9C];
	s0 =	simm.s32 @p1 $0x1  }
0x15: {  	[smem:$0x3FB9] =	sst s0;
	s0 =	simm.s32 @!p2 $0x0  }
0x16: {  	s3 =	sld [smem:$0x3FDB];
	s0 =	simm.s32 @p2 $0x1  }
0x17: {  	s4 =	simm.s32 $0x1BF5;
	[smem:$0x3FBB] =	sst s0  }
0x18: {  	s0 =	sld [smem:$0x3F9E];
	_ =	swait.ge [sflag:s4], $0x0  }
0x19: {  	s7 =	sld [smem:$0x3F9F]  }
0x1a: {  	s8 =	sadd.s32 $0xFFFFE003, lr  }
0x1b: {  	s9 =	sadd.s32 $0xFFFFFEF7, lr;
	s5 =	simm.s32 $0xFFFFFFFF;
	p2 =	slt.u32 s8, $0xFFFFF086  }
0x1c: {  	p1 =	slt.u32 s9, $0xF7A;
	s5 =	simm.s32 @!p2 $0x0  }
0x1d: {  	s5 =	simm.s32 @p1 $0x1;
	p0 =	seq.s32 s7, s2  }
0x1e: {  	s7 =	smul.u32 @!p0 $0xF7A, s2;
	p2 =	seq.s32 @!p0 s5, $0x0  }
0x1f: {  	s9 =	smul.u32 $0xF7A, s1;
	s8 =	simm.s32 @!p0 $0x1BF5;
	p2 =	por !p2, p0  }
0x20: {  	[sflag:s8] =	ssyncset.s32 @!p0 $0xFFFFF086;
	s6 =	sadd.s32 @!p0 s3, s7;
	s7 =	simm.s32 @!p0 $0x108  }
0x21: {  	s3 =	sadd.s32 s3, s9;
	s6 =	sadd.s32 @!p0 $0x88, s6;
	s7 =	simm.s32 @p2 $0x1082  }
0x22: {  	[simem:s7], [sflag:s8] =	dma.local @!p0 [hbm:s6], $0xF7A  }
0x23: {  	s9 =	sor.u32 $0xD0000000, s2;
	s6 =	simm.s32 $0x108;
	_ =	swait.ge @!p0 [sflag:s8], $0x0  }
0x24: {  	s3 =	sadd.s32 $0x88, s3;
	s6 =	simm.s32 @!p1 $0x1082;
	[sflag:s4] =	ssyncset.s32 $0xFFFFF086  }
0x25: {  	[simem:s6], [sflag:s4] =	dma.local [hbm:s3], $0xF7A  }
0x26: {  	[smem:$0x3F9F] =	sst s1;
	(tag) =	ssettag s2;
	_ =	strace s9  }
0x27: {  	s1 =	sld [smem:$0x3FAF]  }
0x28: {  	s2 =	sld [smem:$0x3FB0]  }
0x29: {  	s4 =	sld [smem:$0x3FB2]  }
0x2a: {  	p0 =	seq.s32 s5, $0x0;
	s5 =	sld [smem:$0x3FB3]  }
0x2b: {  	s6 =	sld [smem:$0x3FB4]  }
0x2c: {  	s7 =	sld [smem:$0x3FB5]  }
0x2d: {  	s3 =	simm.s32 $0x108;
	s8 =	sld [smem:$0x3FB6]  }
0x2e: {  	s3 =	simm.s32 @!p0 $0x1082;
	s9 =	sld [smem:$0x3FB7]  }
0x2f: {  	lr =	sadd.s32 s0, s3;
	s0 =	sld [smem:$0x3FAE]  }
0x30: {  	s3 =	sld [smem:$0x3FB1]  }
0x31: {  	[smem:$0x3FBA] =	sst s10  }
0x32: {  	s10 =	sld [smem:$0x3FB8];
	_ =	sdelay $0x3  }
0x33: {  	p0 =	seq.s32 s10, $0x1;
	s10 =	sld [smem:$0x3FBA];
	_ =	sdelay $0x3  }
0x34: {  	[smem:$0x3FBA] =	sst s10  }
0x35: {  	s10 =	sld [smem:$0x3FB9];
	_ =	sdelay $0x3  }
0x36: {  	p1 =	seq.s32 s10, $0x1;
	s10 =	sld [smem:$0x3FBA];
	_ =	sdelay $0x3  }
0x37: {  	[smem:$0x3FBA] =	sst s10  }
0x38: {  	s10 =	sld [smem:$0x3FBB]  }
0x39: {  	_ = 	snop;
	(pc) =	sbr.ind lr, $3  }
0x3a: {  	_ = 	snop  }
0x3b: {  	_ = 	snop  }
0x3c: {  	p2 =	seq.s32 s10, $0x1;
	s10 =	sld [smem:$0x3FBA]  }
0x3d: {  	_ =	shalt  }
0x3e: {  	_ =	shalt  }
0x3f: {  	_ =	shalt  }
0x40: {  	_ =	shalt  }
0x41: {  	_ =	shalt  }
0x42: {  	_ =	shalt  }
0x43: {  	_ =	shalt  }
0x44: {  	_ =	shalt  }
0x45: {  	_ =	shalt  }
0x46: {  	_ =	shalt  }
0x47: {  	_ =	shalt  }
0x48: {  	_ =	shalt  }
0x49: {  	_ =	shalt  }
0x4a: {  	_ =	shalt  }
0x4b: {  	_ =	shalt  }
0x4c: {  	_ =	shalt  }
0x4d: {  	_ =	shalt  }
0x4e: {  	_ =	shalt  }
0x4f: {  	_ =	shalt  }
0x50: {  	_ =	shalt  }
0x51: {  	_ =	shalt  }
0x52: {  	_ =	shalt  }
0x53: {  	_ =	shalt  }
0x54: {  	_ =	shalt  }
0x55: {  	_ =	shalt  }
0x56: {  	_ =	shalt  }
0x57: {  	_ =	shalt  }
0x58: {  	_ =	shalt  }
0x59: {  	_ =	shalt  }
0x5a: {  	_ =	shalt  }
0x5b: {  	_ =	shalt  }
0x5c: {  	_ =	shalt  }
0x5d: {  	_ =	shalt  }
0x5e: {  	_ =	shalt  }
0x5f: {  	_ =	shalt  }
0x60: {  	_ =	shalt  }
0x61: {  	_ =	shalt  }
0x62: {  	_ =	shalt  }
0x63: {  	_ =	shalt  }
0x64: {  	_ =	shalt  }
0x65: {  	_ =	shalt  }
0x66: {  	_ =	shalt  }
0x67: {  	_ =	shalt  }
0x68: {  	_ =	shalt  }
0x69: {  	_ =	shalt  }
0x6a: {  	_ =	shalt  }
0x6b: {  	_ =	shalt  }
0x6c: {  	_ =	shalt  }
0x6d: {  	_ =	shalt  }
0x6e: {  	_ =	shalt  }
0x6f: {  	_ =	shalt  }
0x70: {  	_ =	shalt  }
0x71: {  	_ =	shalt  }
0x72: {  	_ =	shalt  }
0x73: {  	_ =	shalt  }
0x74: {  	_ =	shalt  }
0x75: {  	_ =	shalt  }
0x76: {  	_ =	shalt  }
0x77: {  	_ =	shalt  }
0x78: {  	_ =	shalt  }
0x79: {  	_ =	shalt  }
0x7a: {  	_ =	shalt  }
0x7b: {  	_ =	shalt  }
0x7c: {  	_ =	shalt  }
0x7d: {  	_ =	shalt  }
0x7e: {  	_ =	shalt  }
0x7f: {  	_ =	shalt  }
0x80: {  	_ =	shalt  }
0x81: {  	_ =	shalt  }
0x82: {  	_ =	shalt  }
0x83: {  	_ =	shalt  }
0x84: {  	_ =	shalt  }
0x85: {  	_ =	shalt  }
0x86: {  	_ =	shalt  }
0x87: {  	_ =	shalt  }
.Lfunc_end0:
.L_simem_size_0:
called_computation_lowered:
.L_overlay_start_0:
0x88: {  	s2 =	sld [smem:$0x3FD9]  }
0x89: {  	s3 =	sld [smem:$0x3FFE];
	_ =	sdelay $0x1  }
0x8a: {  	s1 =	srdreg.scid  }
0x8b: {  	s0 =	sand.u32 $0x1, s1  }
0x8c: {  	s17 =	sshll.u32 s0, $0xA;
	s2 =	sadd.s32 s3, s2  }
0x8d: {  	s2 =	sadd.s32 s2, s17  }
0x8e: {  	[smem:$0x3FC6] =	sst s2  }
0x8f: {  	_ = 	snop  }
0x90: {  	s2 =	sld [smem:$0x3FD0];
	(tm) =	ssettm $0x1  }
0x91: {  	s18 =	sld [smem:$0x3FFB];
	_ =	sdelay $0x3  }
0x92: {  	_ =	strace s18  }
0x93: {  	s3 =	sld [smem:$0x3FFC];
	_ =	sdelay $0x3  }
0x94: {  	_ =	strace s3  }
0x95: {  	s3 =	sld [smem:$0x3FFD];
	_ =	sdelay $0x3  }
0x96: {  	_ =	strace s3  }
0x97: {  	_ =	strace $0x8FFFFFFF  }
0x98: {  	s19 =	sld [smem:$0x3FDB];
	_ =	sdelay $0x1  }
0x99: {  	s4 =	simm.s32 $_scs_section_size  }
0x9a: {  	s5 =	simm.s32 $_size__tile_overlayer_lowered;
	s6 =	simm.s32 $_tile_overlayer_lowered  }
0x9b: {  	s22 =	simm.s32 $0x1BFF;
	s21 =	sshll.u32 s6, $0x1;
	s3 =	sadd.s32 s4, s19  }
0x9c: {  	s7 =	simm.s32 $0x0;
	s20 =	sshll.u32 s5, $0x1;
	s5 =	sadd.s32 s21, s3  }
0x9d: {  	[timem:s7], [sflag:s22] =	dma.local [hbm:s5], s20  }
0x9e: {  	_ =	swait.ge [sflag:s22], s20  }
0x9f: {  	s4 =	ssub.s32 $0x0, s20;
	[sflag:s22] =	ssyncset.done $0x0  }
0xa0: {  	[sflag:s22] =	ssyncadd.s32 s4;
	_ =	sdelay $0x1  }
0xa1: {  	s23 =	simm.s32 $0x1B8B  }
0xa2: {  	_ =	swait.ge [sflag:s23], $0x1  }
0xa3: {  	[sflag:s23] =	ssyncset.done $0x0  }
0xa4: {  	s25 =	simm.s32 $0x1B8E;
	s24 =	sld [smem:$0x3FFE];
	[sflag:s23] =	ssyncadd.s32 $0xFFFFFFFF  }
0xa5: {  	s26 =	simm.s32 $execute0_lowered;
	[smem:$0x3FD2] =	sst s25  }
0xa6: {  	s5 =	sshll.u32 s26, $0x1;
	_ =	strace $0x80000046;
	[dreg:$0x1] =	wrdreg $0xFFFFFFFF  }
0xa7: {  	s28 =	simm.s32 $_size_execute0_lowered;
	s3 =	sadd.s32 s3, s5;
	[dreg:$0x0] =	wrdreg $0x0  }
0xa8: {  	s5 =	sshll.u32 s28, $0x1;
	[dreg:$0x2] =	wrdreg s3  }
0xa9: {  	[dreg:$0x3] =	wrdreg s5  }
0xaa: {  	[dreg:$0x4] =	wrdreg $0xC0  }
0xab: {  	_ =	task [dreg:s7], $0x5FFFF  }
0xac: {  	[dreg:$0x1] =	wrdreg $0xFFFFFFFF  }
0xad: {  	[dreg:$0x0] =	wrdreg $0x60  }
0xae: {  	[dreg:$0x2] =	wrdreg s2  }
0xaf: {  	[dreg:$0x3] =	wrdreg s24  }
0xb0: {  	[dreg:$0x4] =	wrdreg $0x9  }
0xb1: {  	_ =	task.clear_ibuf [dreg:s7], $0x5FFFF;
	_ =	strace $0x90000046  }
0xb2: {  	s29 =	simm.s32 $0x9;
	_ =	strace $0x80000048  }
0xb3: {  	_ =	swait.ge [sflag:s29], $0x1  }
0xb4: {  	[sflag:s29] =	ssyncadd.s32 $0xFFFFFFFF  }
0xb5: {  	_ =	strace $0x90000048  }
0xb6: {  	_ =	sfence  }
0xb7: {  	s30 =	sld [smem:$0x0];
	_ =	sdelay $0x2  }
0xb8: {  	s31 =	sshll.u32 s1, $0xD;
	s1 =	sshrl.u32 s1, $0x2  }
0xb9: {  	s3 =	sand.u32 $0x4000, s31;
	s1 =	sadd.s32 s1, s30  }
0xba: {  	s0 =	sor.u32 s3, s0;
	s1 =	sshll.u32 s1, $0x11  }
0xbb: {  	s0 =	sor.u32 s1, s0  }
0xbc: {  	s0 =	sadd.s32 $0x8F2B, s0  }
0xbd: {  	[sflag:s0] =	ssyncadd.remote.s32 $0x1  }
0xbe: {  	_ =	sfence.sel $0xFFFF  }
0xbf: {  	[dreg:$0x0] =	wrdreg $0xFFFFFFFF;
	(pc) =	sbr.abs _section_cstart, $3  }
0xc0: {  	[dreg:$0x1] =	wrdreg $0xFFFFFFFF  }
0xc1: {  	_ =	task.clear_ibuf [dreg:s7], $0x2FFFF;
	_ =	strace $0x9FFFFFFF  }
0xc2: {  	(tm) =	ssettm $0x7FFFFFFF  }
0xc3: {  	_ =	shalt  }
tec
execute0_lowered:
.L_overlay_start_1:
0x0: {  	(tag) =	ssettag $0x1  }
0x1: {  	s0 =	rddreg [dreg:$0x0]  }
0x2: {  	s1 =	rddreg [dreg:$0x1];
	s2 =	simm.s32 $0x0  }
0x3: {  	s3 =	srdreg.scid;
	s5 =	stileid.u32;
	s9 =	simm.s32 $0x80  }
0x4: {  	s11 =	simm.s32 $0x7;
	s13 =	simm.s32 $0xA400;
	s14 =	simm.s32 $0x100  }
0x5: {  	s15 =	simm.s32 $0xE400;
	s16 =	simm.s32 $0x180;
	s17 =	simm.s32 $0x12400  }
0x6: {  	s18 =	simm.s32 $0x1;
	s19 =	simm.s32 $0x2;
	s20 =	simm.s32 $0x400  }
0x7: {  	s21 =	simm.s32 $0x19000;
	s22 =	simm.s32 $0x16400;
	s23 =	simm.s32 $0x3  }
0x8: {  	s24 =	simm.s32 $0x4;
	s25 =	simm.s32 $0x1A400;
	s26 =	simm.s32 $0x5  }
0x9: {  	s28 =	simm.s32 $0x6;
	s29 =	simm.s32 $0x0;
	[smem:$0x7FF] =	sst s2  }
.Ltmp0:
0xa: {  	s4 =	sand.u32 $0x1, s3;
	s30 =	sshll.u32 s5, $0x1;
	(pc) =	sbr.rel .LBB2_1-.Ltmp0, $4  }
0xb: {  	s3 =	sadd.s32 $0x400, s1;
	s6 =	sor.u32 s4, s30;
	s7 =	ssub.s32 $0x2, s4  }
0xc: {  	s5 =	sadd.s32 $0xF42800, s1;
	s4 =	smul.u32 $0x190000, s6;
	s31 =	sshrl.u32 s7, $0x1  }
0xd: {  	_ =	strace $0x80000047;
	s6 =	sshll.u32 s6, $0x4;
	s1 =	ssub.s32 s7, s31  }
0xe: {  	s6 =	sadd.s32 s0, s6;
	s7 =	sor.u32 $0x400, s4;
	s8 =	smax.u32 s1, $0x1  }
.LBB2_8:
0xf: {  	s29 =	sadd.s32 $0x1, s29  }
0x10: {  	_ =	swait.ge [sflag:s26], $0x4000;
	p0 =	sne.s32 s29, s8  }
.Ltmp1:
0x11: {  	[sflag:s26] =	ssyncset.done $0x0;
	(pc) =	sbr.rel @!p0 .LBB2_9-.Ltmp1, $4  }
0x12: {  	[sflag:s26] =	ssyncadd.s32 $0xFFFFC000  }
0x13: {  	_ =	swait.ge [sflag:s28], $0x4000  }
0x14: {  	[sflag:s28] =	ssyncset.done $0x0  }
0x15: {  	[sflag:s28] =	ssyncadd.s32 $0xFFFFC000  }
.LBB2_1:
0x16: {  	s0 =	simm.s32 $0x1000  }
0x17: {  	[tilespmem:s2], [sflag:$0x7] =	stream.strided.gather [hbm4b:s6+s9], $0x6400, s0, s9, $0x38;
	[tilespmem:$0x1E400] =	vst v63  }
0x18: {  	_ =	swait.ge [sflag:s11], $0x6400  }
0x19: {  	[sflag:s11] =	ssyncset.done $0x0  }
0x1a: {  	s31 =	simm.s32 $0x6400;
	[sflag:s11] =	ssyncadd.s32 $0xFFFF9C00  }
0x1b: {  	[tilespmem:s31], [sflag:$0x1] =	stream.indirect.gather [hbm4b:s3+s9], $0x80, s2, s9, $0xb8;
	[tilespmem:$0x1E400] =	vst v63  }
0x1c: {  	_ = 	snop  }
0x1d: {  	[tilespmem:s13], [sflag:$0x2] =	stream.indirect.gather [hbm4b:s3+s9], $0x80, s9, s9, $0xb8;
	[tilespmem:$0x1E400] =	vst v63  }
0x1e: {  	_ = 	snop  }
0x1f: {  	[tilespmem:s15], [sflag:$0x3] =	stream.indirect.gather [hbm4b:s3+s9], $0x80, s14, s9, $0xb8;
	[tilespmem:$0x1E400] =	vst v63  }
0x20: {  	s30 =	simm.s32 $0x0  }
0x21: {  	[tilespmem:s17], [sflag:$0x4] =	stream.indirect.gather [hbm4b:s3+s9], $0x80, s16, s9, $0xb8;
	[tilespmem:$0x1E400] =	vst v63  }
.LBB2_2:
0x22: {  	_ =	swait.ge [sflag:s18], $0x4000  }
0x23: {  	[sflag:s18] =	ssyncset.done $0x0  }
0x24: {  	[sflag:s18] =	ssyncadd.s32 $0xFFFFC000  }
0x25: {  	_ =	swait.ge [sflag:s19], $0x4000  }
0x26: {  	p0 =	seq.s32 s30, $0x0;
	[sflag:s19] =	ssyncset.done $0x0  }
0x27: {  	s0 =	simm.s32 @!p0 $0x5;
	[sflag:s19] =	ssyncadd.s32 $0xFFFFC000  }
0x28: {  	_ =	swait.ge @!p0 [sflag:s0], $0x4000  }
0x29: {  	[sflag:s0] =	ssyncset.done @!p0 $0x0  }
0x2a: {  	[sflag:s0] =	ssyncadd.s32 @!p0 $0xFFFFC000;
	s0 =	simm.s32 $0x0  }
0x2b: {  	v0 =	vld [tilespmem:s0+$0xA5B0]  }
0x2c: {  	v1 =	vld [tilespmem:s0+$0x6400]  }
0x2d: {  	v6 =	vld [tilespmem:s0+$0x6480]  }
0x2e: {  	v2 =	vld [tilespmem:s0+$0xA400]  }
0x2f: {  	v7 =	vld [tilespmem:s0+$0xA480]  }
0x30: {  	v3 =	vld [tilespmem:s0+$0x6410];
	[tilespmem:s0+$0x165F0] =	vst v0  }
0x31: {  	v8 =	vld [tilespmem:s0+$0x6490];
	[tilespmem:s0+$0x16400] =	vst v1  }
0x32: {  	v4 =	vld [tilespmem:s0+$0xA410];
	[tilespmem:s0+$0x16480] =	vst v6  }
0x33: {  	v5 =	vld [tilespmem:s0+$0x6420];
	[tilespmem:s0+$0x16440] =	vst v2  }
0x34: {  	v62 =	vld [tilespmem:s0+$0xA430];
	[tilespmem:s0+$0x164C0] =	vst v7  }
0x35: {  	v63 =	vld [tilespmem:s0+$0xA510];
	[tilespmem:s0+$0x16410] =	vst v3  }
0x36: {  	v6 =	vld [tilespmem:s0+$0xA420];
	[tilespmem:s0+$0x16490] =	vst v8  }
0x37: {  	v7 =	vld [tilespmem:s0+$0x6430];
	[tilespmem:s0+$0x16450] =	vst v4  }
0x38: {  	v0 =	vld [tilespmem:s0+$0xA490];
	[tilespmem:s0+$0x16420] =	vst v5  }
0x39: {  	v5 =	vld [tilespmem:s0+$0x6500];
	[tilespmem:s0+$0x16470] =	vst v62  }
0x3a: {  	v1 =	vld [tilespmem:s0+$0x64A0];
	[tilespmem:s0+$0x16550] =	vst v63  }
0x3b: {  	v2 =	vld [tilespmem:s0+$0xA4A0];
	[tilespmem:s0+$0x16460] =	vst v6  }
0x3c: {  	v3 =	vld [tilespmem:s0+$0x64B0];
	[tilespmem:s0+$0x16430] =	vst v7  }
0x3d: {  	v4 =	vld [tilespmem:s0+$0xA4B0];
	[tilespmem:s0+$0x164D0] =	vst v0  }
0x3e: {  	v6 =	vld [tilespmem:s0+$0xA500];
	[tilespmem:s0+$0x16500] =	vst v5  }
0x3f: {  	v7 =	vld [tilespmem:s0+$0x6510];
	[tilespmem:s0+$0x164A0] =	vst v1  }
0x40: {  	v0 =	vld [tilespmem:s0+$0x6520];
	[tilespmem:s0+$0x164E0] =	vst v2  }
0x41: {  	v1 =	vld [tilespmem:s0+$0xA520];
	[tilespmem:s0+$0x164B0] =	vst v3  }
0x42: {  	v2 =	vld [tilespmem:s0+$0x6530];
	[tilespmem:s0+$0x164F0] =	vst v4  }
0x43: {  	v4 =	vld [tilespmem:s0+$0x6580];
	[tilespmem:s0+$0x16540] =	vst v6  }
0x44: {  	v5 =	vld [tilespmem:s0+$0xA530];
	[tilespmem:s0+$0x16510] =	vst v7  }
0x45: {  	v3 =	vld [tilespmem:s0+$0xA580];
	[tilespmem:s0+$0x16520] =	vst v0  }
0x46: {  	v0 =	vld [tilespmem:s0+$0x6590];
	[tilespmem:s0+$0x16560] =	vst v1  }
0x47: {  	v1 =	vld [tilespmem:s0+$0xA590];
	[tilespmem:s0+$0x16530] =	vst v2  }
0x48: {  	v2 =	vld [tilespmem:s0+$0x65A0];
	[tilespmem:s0+$0x16580] =	vst v4  }
0x49: {  	s31 =	simm.s32 $0x0;
	s1 =	simm.s32 $0x800;
	[tilespmem:s0+$0x16570] =	vst v5;
	v4 =	vld [tilespmem:s0+$0xA5A0]  }
.LBB2_3:
0x4a: {  	s10 =	sshra.s32 s1, $0x2;
	s31 =	sadd.s32 $0x4, s31;
	[tilespmem:s0+$0x165C0] =	vst v3;
	v3 =	vld [tilespmem:s0+$0x65B0]  }
0x4b: {  	v5 =	vld [tilespmem:s10+$0xA5B0];
	p1 =	slt.u32 s31, $0x7C;
	[tilespmem:s0+$0x16590] =	vst v0  }
0x4c: {  	v0 =	vld [tilespmem:s10+$0x6400];
	[tilespmem:s0+$0x165D0] =	vst v1  }
0x4d: {  	v1 =	vld [tilespmem:s10+$0xA400];
	[tilespmem:s0+$0x165A0] =	vst v2  }
0x4e: {  	v2 =	vld [tilespmem:s10+$0x6410];
	[tilespmem:s0+$0x165E0] =	vst v4  }
0x4f: {  	v4 =	vld [tilespmem:s10+$0xA410];
	[tilespmem:s0+$0x165B0] =	vst v3;
	s0 =	smov.u32 s10  }
0x50: {  	v3 =	vld [tilespmem:s0+$0x6420];
	[tilespmem:s0+$0x165F0] =	vst v5  }
0x51: {  	[tilespmem:s0+$0x16400] =	vst v0;
	v0 =	vld [tilespmem:s0+$0xA420]  }
0x52: {  	[tilespmem:s0+$0x16440] =	vst v1;
	v1 =	vld [tilespmem:s0+$0x6430]  }
0x53: {  	[tilespmem:s0+$0x16410] =	vst v2;
	v2 =	vld [tilespmem:s0+$0xA430]  }
0x54: {  	[tilespmem:s0+$0x16450] =	vst v4;
	v4 =	vld [tilespmem:s0+$0x6480]  }
0x55: {  	[tilespmem:s0+$0x16420] =	vst v3;
	v3 =	vld [tilespmem:s0+$0xA480]  }
0x56: {  	[tilespmem:s0+$0x16460] =	vst v0;
	v0 =	vld [tilespmem:s0+$0x6490]  }
0x57: {  	[tilespmem:s0+$0x16430] =	vst v1;
	v1 =	vld [tilespmem:s0+$0xA490]  }
0x58: {  	[tilespmem:s0+$0x16470] =	vst v2;
	v2 =	vld [tilespmem:s0+$0x64A0]  }
0x59: {  	[tilespmem:s0+$0x16480] =	vst v4;
	v4 =	vld [tilespmem:s0+$0xA4A0]  }
0x5a: {  	[tilespmem:s0+$0x164C0] =	vst v3;
	v3 =	vld [tilespmem:s0+$0x64B0]  }
0x5b: {  	[tilespmem:s0+$0x16490] =	vst v0;
	v0 =	vld [tilespmem:s0+$0xA4B0]  }
0x5c: {  	[tilespmem:s0+$0x164D0] =	vst v1;
	v1 =	vld [tilespmem:s0+$0x6500]  }
0x5d: {  	[tilespmem:s0+$0x164A0] =	vst v2;
	v2 =	vld [tilespmem:s0+$0xA500]  }
0x5e: {  	[tilespmem:s0+$0x164E0] =	vst v4;
	v4 =	vld [tilespmem:s0+$0x6510]  }
0x5f: {  	[tilespmem:s0+$0x164B0] =	vst v3;
	v3 =	vld [tilespmem:s0+$0xA510]  }
0x60: {  	[tilespmem:s0+$0x164F0] =	vst v0;
	v0 =	vld [tilespmem:s0+$0x6520]  }
0x61: {  	[tilespmem:s0+$0x16500] =	vst v1;
	v1 =	vld [tilespmem:s0+$0xA520]  }
0x62: {  	[tilespmem:s0+$0x16540] =	vst v2;
	v2 =	vld [tilespmem:s0+$0x6530]  }
0x63: {  	[tilespmem:s0+$0x16510] =	vst v4;
	v4 =	vld [tilespmem:s0+$0xA530]  }
0x64: {  	[tilespmem:s0+$0x16550] =	vst v3;
	v5 =	vld [tilespmem:s0+$0x6580]  }
.Ltmp2:
0x65: {  	[tilespmem:s0+$0x16520] =	vst v0;
	v3 =	vld [tilespmem:s0+$0xA580];
	(pc) =	sbr.rel @p1 .LBB2_3-.Ltmp2, $4  }
0x66: {  	[tilespmem:s0+$0x16560] =	vst v1;
	v0 =	vld [tilespmem:s0+$0x6590]  }
0x67: {  	[tilespmem:s0+$0x16530] =	vst v2;
	v1 =	vld [tilespmem:s0+$0xA590]  }
0x68: {  	[tilespmem:s0+$0x16570] =	vst v4;
	v2 =	vld [tilespmem:s0+$0x65A0]  }
0x69: {  	s1 =	sadd.s32 $0x800, s1;
	[tilespmem:s0+$0x16580] =	vst v5;
	v4 =	vld [tilespmem:s0+$0xA5A0]  }
0x6a: {  	[tilespmem:s0+$0x165C0] =	vst v3;
	v3 =	vld [tilespmem:s0+$0x65B0]  }
0x6b: {  	[tilespmem:s0+$0x16590] =	vst v0  }
0x6c: {  	s31 =	sshll.u32 s30, $0xB;
	[tilespmem:s0+$0x165D0] =	vst v1  }
0x6d: {  	s1 =	sadd.s32 s4, s31;
	[tilespmem:s0+$0x165A0] =	vst v2  }
0x6e: {  	p1 =	seq.s32 s30, $0x31;
	s1 =	sshrl.u32 s1, $0x3;
	[tilespmem:s0+$0x165E0] =	vst v4  }
0x6f: {  	s12 =	sadd.s32 s5, s1;
	[tilespmem:s0+$0x165B0] =	vst v3;
	s0 =	sshrl.u32 @!p1 s31, $0x2  }
0x70: {  	[hbm4b:s12+s20] =	stream.strided.scatter [tilespmem:s22], [sflag:$0x5], $0x4000, s21, s20, $0x38;
	[tilespmem:$0x1E400] =	vst v63  }
0x71: {  	s10 =	simm.s32 @!p1 $0x80;
	s1 =	sadd.s32 @!p1 $0x200, s0;
	s12 =	simm.s32 @!p1 $0x6400  }
0x72: {  	[tilespmem:s12], [sflag:$0x1] =	stream.indirect.gather @!p1 [hbm4b:s3+s10], $0x80, s1, s10, $0xb8;
	[tilespmem:$0x1E400] =	vst v63  }
0x73: {  	s0 =	sadd.s32 @!p1 $0x280, s0;
	s1 =	simm.s32 @!p1 $0xA400  }
0x74: {  	[tilespmem:s1], [sflag:$0x2] =	stream.indirect.gather @!p1 [hbm4b:s3+s10], $0x80, s0, s10, $0xb8;
	[tilespmem:$0x1E400] =	vst v63  }
0x75: {  	_ =	swait.ge [sflag:s23], $0x4000  }
0x76: {  	[sflag:s23] =	ssyncset.done $0x0  }
0x77: {  	[sflag:s23] =	ssyncadd.s32 $0xFFFFC000  }
0x78: {  	_ =	swait.ge [sflag:s24], $0x4000  }
0x79: {  	[sflag:s24] =	ssyncset.done $0x0  }
0x7a: {  	s0 =	simm.s32 @!p0 $0x6;
	[sflag:s24] =	ssyncadd.s32 $0xFFFFC000  }
0x7b: {  	_ =	swait.ge @!p0 [sflag:s0], $0x4000  }
0x7c: {  	[sflag:s0] =	ssyncset.done @!p0 $0x0  }
0x7d: {  	[sflag:s0] =	ssyncadd.s32 @!p0 $0xFFFFC000;
	s0 =	simm.s32 $0x0  }
0x7e: {  	v0 =	vld [tilespmem:s0+$0x125B0]  }
0x7f: {  	v1 =	vld [tilespmem:s0+$0xE400]  }
0x80: {  	v6 =	vld [tilespmem:s0+$0xE480]  }
0x81: {  	v2 =	vld [tilespmem:s0+$0x12400]  }
0x82: {  	v7 =	vld [tilespmem:s0+$0x12480]  }
0x83: {  	v3 =	vld [tilespmem:s0+$0xE410];
	[tilespmem:s0+$0x1A5F0] =	vst v0  }
0x84: {  	v8 =	vld [tilespmem:s0+$0xE490];
	[tilespmem:s0+$0x1A400] =	vst v1  }
0x85: {  	v4 =	vld [tilespmem:s0+$0x12410];
	[tilespmem:s0+$0x1A480] =	vst v6  }
0x86: {  	v5 =	vld [tilespmem:s0+$0xE420];
	[tilespmem:s0+$0x1A440] =	vst v2  }
0x87: {  	v62 =	vld [tilespmem:s0+$0x12430];
	[tilespmem:s0+$0x1A4C0] =	vst v7  }
0x88: {  	v63 =	vld [tilespmem:s0+$0x12510];
	[tilespmem:s0+$0x1A410] =	vst v3  }
0x89: {  	v6 =	vld [tilespmem:s0+$0x12420];
	[tilespmem:s0+$0x1A490] =	vst v8  }
0x8a: {  	v7 =	vld [tilespmem:s0+$0xE430];
	[tilespmem:s0+$0x1A450] =	vst v4  }
0x8b: {  	v0 =	vld [tilespmem:s0+$0x12490];
	[tilespmem:s0+$0x1A420] =	vst v5  }
0x8c: {  	v5 =	vld [tilespmem:s0+$0xE500];
	[tilespmem:s0+$0x1A470] =	vst v62  }
0x8d: {  	v1 =	vld [tilespmem:s0+$0xE4A0];
	[tilespmem:s0+$0x1A550] =	vst v63  }
0x8e: {  	v2 =	vld [tilespmem:s0+$0x124A0];
	[tilespmem:s0+$0x1A460] =	vst v6  }
0x8f: {  	v3 =	vld [tilespmem:s0+$0xE4B0];
	[tilespmem:s0+$0x1A430] =	vst v7  }
0x90: {  	v4 =	vld [tilespmem:s0+$0x124B0];
	[tilespmem:s0+$0x1A4D0] =	vst v0  }
0x91: {  	v6 =	vld [tilespmem:s0+$0x12500];
	[tilespmem:s0+$0x1A500] =	vst v5  }
0x92: {  	v7 =	vld [tilespmem:s0+$0xE510];
	[tilespmem:s0+$0x1A4A0] =	vst v1  }
0x93: {  	v0 =	vld [tilespmem:s0+$0xE520];
	[tilespmem:s0+$0x1A4E0] =	vst v2  }
0x94: {  	v1 =	vld [tilespmem:s0+$0x12520];
	[tilespmem:s0+$0x1A4B0] =	vst v3  }
0x95: {  	v5 =	vld [tilespmem:s0+$0xE530];
	[tilespmem:s0+$0x1A4F0] =	vst v4  }
0x96: {  	v4 =	vld [tilespmem:s0+$0xE580];
	[tilespmem:s0+$0x1A540] =	vst v6  }
0x97: {  	[tilespmem:s0+$0x1A510] =	vst v7;
	v6 =	vld [tilespmem:s0+$0x12530]  }
0x98: {  	v2 =	vld [tilespmem:s0+$0x12580];
	[tilespmem:s0+$0x1A520] =	vst v0  }
0x99: {  	v0 =	vld [tilespmem:s0+$0xE590];
	[tilespmem:s0+$0x1A560] =	vst v1  }
0x9a: {  	v1 =	vld [tilespmem:s0+$0x12590];
	[tilespmem:s0+$0x1A530] =	vst v5  }
0x9b: {  	v3 =	vld [tilespmem:s0+$0xE5A0];
	[tilespmem:s0+$0x1A580] =	vst v4  }
0x9c: {  	s1 =	simm.s32 $0x0;
	s10 =	simm.s32 $0x800;
	v4 =	vld [tilespmem:s0+$0x125A0];
	[tilespmem:s0+$0x1A570] =	vst v6  }
.LBB2_5:
0x9d: {  	s12 =	sshra.s32 s10, $0x2;
	s1 =	sadd.s32 $0x4, s1;
	[tilespmem:s0+$0x1A5C0] =	vst v2;
	v2 =	vld [tilespmem:s0+$0xE5B0]  }
0x9e: {  	v5 =	vld [tilespmem:s12+$0x125B0];
	p0 =	slt.u32 s1, $0x7C;
	[tilespmem:s0+$0x1A590] =	vst v0  }
0x9f: {  	v0 =	vld [tilespmem:s12+$0xE400];
	[tilespmem:s0+$0x1A5D0] =	vst v1  }
0xa0: {  	v1 =	vld [tilespmem:s12+$0x12400];
	[tilespmem:s0+$0x1A5A0] =	vst v3  }
0xa1: {  	v3 =	vld [tilespmem:s12+$0xE410];
	[tilespmem:s0+$0x1A5E0] =	vst v4  }
0xa2: {  	v4 =	vld [tilespmem:s12+$0x12410];
	[tilespmem:s0+$0x1A5B0] =	vst v2;
	s0 =	smov.u32 s12  }
0xa3: {  	v2 =	vld [tilespmem:s0+$0xE420];
	[tilespmem:s0+$0x1A5F0] =	vst v5  }
0xa4: {  	[tilespmem:s0+$0x1A400] =	vst v0;
	v0 =	vld [tilespmem:s0+$0x12420]  }
0xa5: {  	[tilespmem:s0+$0x1A440] =	vst v1;
	v1 =	vld [tilespmem:s0+$0xE430]  }
0xa6: {  	[tilespmem:s0+$0x1A410] =	vst v3;
	v3 =	vld [tilespmem:s0+$0x12430]  }
0xa7: {  	[tilespmem:s0+$0x1A450] =	vst v4;
	v4 =	vld [tilespmem:s0+$0xE480]  }
0xa8: {  	[tilespmem:s0+$0x1A420] =	vst v2;
	v2 =	vld [tilespmem:s0+$0x12480]  }
0xa9: {  	[tilespmem:s0+$0x1A460] =	vst v0;
	v0 =	vld [tilespmem:s0+$0xE490]  }
0xaa: {  	[tilespmem:s0+$0x1A430] =	vst v1;
	v1 =	vld [tilespmem:s0+$0x12490]  }
0xab: {  	[tilespmem:s0+$0x1A470] =	vst v3;
	v3 =	vld [tilespmem:s0+$0xE4A0]  }
0xac: {  	[tilespmem:s0+$0x1A480] =	vst v4;
	v4 =	vld [tilespmem:s0+$0x124A0]  }
0xad: {  	[tilespmem:s0+$0x1A4C0] =	vst v2;
	v2 =	vld [tilespmem:s0+$0xE4B0]  }
0xae: {  	[tilespmem:s0+$0x1A490] =	vst v0;
	v0 =	vld [tilespmem:s0+$0x124B0]  }
0xaf: {  	[tilespmem:s0+$0x1A4D0] =	vst v1;
	v1 =	vld [tilespmem:s0+$0xE500]  }
0xb0: {  	[tilespmem:s0+$0x1A4A0] =	vst v3;
	v3 =	vld [tilespmem:s0+$0x12500]  }
0xb1: {  	[tilespmem:s0+$0x1A4E0] =	vst v4;
	v4 =	vld [tilespmem:s0+$0xE510]  }
0xb2: {  	[tilespmem:s0+$0x1A4B0] =	vst v2;
	v2 =	vld [tilespmem:s0+$0x12510]  }
0xb3: {  	[tilespmem:s0+$0x1A4F0] =	vst v0;
	v0 =	vld [tilespmem:s0+$0xE520]  }
0xb4: {  	[tilespmem:s0+$0x1A500] =	vst v1;
	v1 =	vld [tilespmem:s0+$0x12520]  }
0xb5: {  	[tilespmem:s0+$0x1A540] =	vst v3;
	v3 =	vld [tilespmem:s0+$0xE530]  }
0xb6: {  	[tilespmem:s0+$0x1A510] =	vst v4;
	v4 =	vld [tilespmem:s0+$0x12530]  }
0xb7: {  	[tilespmem:s0+$0x1A550] =	vst v2;
	v5 =	vld [tilespmem:s0+$0xE580]  }
.Ltmp3:
0xb8: {  	[tilespmem:s0+$0x1A520] =	vst v0;
	v2 =	vld [tilespmem:s0+$0x12580];
	(pc) =	sbr.rel @p0 .LBB2_5-.Ltmp3, $4  }
0xb9: {  	[tilespmem:s0+$0x1A560] =	vst v1;
	v0 =	vld [tilespmem:s0+$0xE590]  }
0xba: {  	[tilespmem:s0+$0x1A530] =	vst v3;
	v1 =	vld [tilespmem:s0+$0x12590]  }
0xbb: {  	[tilespmem:s0+$0x1A570] =	vst v4;
	v3 =	vld [tilespmem:s0+$0xE5A0]  }
0xbc: {  	s10 =	sadd.s32 $0x800, s10;
	[tilespmem:s0+$0x1A580] =	vst v5;
	v4 =	vld [tilespmem:s0+$0x125A0]  }
0xbd: {  	[tilespmem:s0+$0x1A5C0] =	vst v2;
	v63 =	vld [tilespmem:s0+$0xE5B0]  }
0xbe: {  	[tilespmem:s0+$0x1A590] =	vst v0  }
.Ltmp4:
0xbf: {  	[tilespmem:s0+$0x1A5D0] =	vst v1;
	(pc) =	sbr.rel @p1 .LBB2_8-.Ltmp4, $4  }
0xc0: {  	s1 =	sadd.s32 s31, s7;
	[tilespmem:s0+$0x1A5A0] =	vst v3  }
0xc1: {  	s1 =	sshrl.u32 s1, $0x3;
	[tilespmem:s0+$0x1A5E0] =	vst v4  }
0xc2: {  	s12 =	sadd.s32 s5, s1;
	[tilespmem:s0+$0x1A5B0] =	vst v63  }
0xc3: {  	[hbm4b:s12+s20] =	stream.strided.scatter [tilespmem:s25], [sflag:$0x6], $0x4000, s21, s20, $0x38;
	[tilespmem:$0x1E400] =	vst v63  }
.Ltmp5:
0xc4: {  	s0 =	sshrl.u32 s31, $0x2;
	(pc) =	sbr.rel .LBB2_2-.Ltmp5, $4  }
0xc5: {  	s1 =	sadd.s32 $0x300, s0  }
0xc6: {  	[tilespmem:s15], [sflag:$0x3] =	stream.indirect.gather [hbm4b:s3+s9], $0x80, s1, s9, $0xb8;
	[tilespmem:$0x1E400] =	vst v63  }
0xc7: {  	s30 =	sadd.s32 $0x1, s30;
	s0 =	sadd.s32 $0x380, s0  }
0xc8: {  	[tilespmem:s17], [sflag:$0x4] =	stream.indirect.gather [hbm4b:s3+s9], $0x80, s0, s9, $0xb8;
	[tilespmem:$0x1E400] =	vst v63  }
.LBB2_9:
0xc9: {  	_ =	sfence.sel $0x180000  }
0xca: {  	[bflag:$0x0] =	sbarrier.arrive $0xFFFF  }
0xcb: {  	_ =	strace $0x90000047  }
0xcc: {  	s0 =	stileid.u32;
	[bflag:$0x2] =	sbarrier.arrive $0xFFFF  }
0xcd: {  	p0 =	sne.s32 s0, $0x0;
	s0 =	rddreg [dreg:$0x2]  }
0xce: {  	s0 =	sadd.s32 @!p0 $0x100000, s0  }
0xcf: {  	[sflag:s0] =	ssyncadd.tile.s32 @!p0 $0x1;
	_ =	shalt  }
.Lfunc_end2:
_tile_overlayer_lowered:
.L_overlay_start_2:
0xd0: {  	(tag) =	ssettag $0x2  }
0xd1: {  	s0 =	rddreg [dreg:$0x0];
	s2 =	stileid.u32  }
0xd2: {  	s1 =	rddreg [dreg:$0x1];
	p0 =	sne.s32 s2, $0x0  }
0xd3: {  	s3 =	rddreg [dreg:$0x2];
	[bflag:$0x3] =	sbarrier.arrive $0xFFFF;
	s2 =	simm.s32 @!p0 $0x1C07  }
0xd4: {  	[timem:s3], [sflag:s2] =	dma.local @!p0 [hbm:s0], s1  }
0xd5: {  	s0 =	simm.s32 @!p0 $0x7  }
0xd6: {  	_ =	swait.ge @!p0 [sflag:s0], s1  }
0xd7: {  	s1 =	ssub.s32 @!p0 $0x0, s1;
	[sflag:s0] =	ssyncset.done @!p0 $0x0  }
0xd8: {  	[sflag:s0] =	ssyncadd.s32 @!p0 s1  }
0xd9: {  	[bflag:$0x3] =	sbarrier.arrive $0xFFFF  }
0xda: {  	_ =	shalt  }

</sc_bundles>
